<compile_context>
chip_gen: v7x
topology: tpu7x:2x2x1
jax: 0.10.2.dev20260603
libtpu: 0.0.44.dev20260713+nightly
codegen_flags: <defaults>
</compile_context>

<pallas_src>
import functools

import jax
import jax.numpy as jnp
from jax import lax
from jax.experimental import pallas as pl
from jax.experimental.pallas import tpu as pltpu
from jax.experimental.pallas import tpu_sc as plsc

_NC = 2
_NS = 16
_NW = _NC * _NS

_B = 4
_R = 4096
_D = 1024
_ROWS = _B * _R
_RPW = _ROWS // _NW
_C = 32
_NCHUNK = _RPW // _C
_NBUF = 3


@functools.partial(
    pl.kernel,
    out_type=jax.ShapeDtypeStruct((_ROWS, _D), jnp.float32),
    mesh=plsc.VectorSubcoreMesh(
        core_axis_name="c", subcore_axis_name="s",
        num_cores=_NC, num_subcores=_NS),
    scratch_types=[
        pltpu.VMEM((_RPW,), jnp.int32),
        pltpu.VMEM((_NBUF, _C, _D), jnp.float32),
        pltpu.SemaphoreType.DMA,
        pltpu.SemaphoreType.DMA,
        pltpu.SemaphoreType.DMA,
        pltpu.SemaphoreType.DMA,
        pltpu.SemaphoreType.DMA,
        pltpu.SemaphoreType.DMA,
    ],
)
def _shuffle_sc(x_hbm, idx_hbm, out_hbm, idx_v, rows_v,
                g0, g1, g2, s0, s1, s2):
    gsem = (g0, g1, g2)
    ssem = (s0, s1, s2)
    wid = lax.axis_index("s") * _NC + lax.axis_index("c")
    base = wid * _RPW
    pltpu.sync_copy(idx_hbm.at[pl.ds(base, _RPW)], idx_v)

    def gather(ci):
        slot = ci % _NBUF
        return pltpu.make_async_copy(
            x_hbm.at[idx_v.at[pl.ds(ci * _C, _C)]], rows_v.at[slot],
            gsem[slot])

    def scatter(ci):
        slot = ci % _NBUF
        return pltpu.make_async_copy(
            rows_v.at[slot], out_hbm.at[pl.ds(base + ci * _C, _C)],
            ssem[slot])

    gather(0).start()
    gather(1).start()
    for ci in range(_NCHUNK):
        gather(ci).wait()
        scatter(ci).start()
        nxt = ci + _NBUF - 1
        if nxt < _NCHUNK:
            if ci >= 1:
                scatter(ci - 1).wait()
            gather(nxt).start()
    scatter(_NCHUNK - 3).wait()
    scatter(_NCHUNK - 2).wait()
    scatter(_NCHUNK - 1).wait()


def kernel(x):
    num_rows = x.shape[1]
    perm = jax.random.permutation(jax.random.key(42), num_rows)
    idx = (perm[None, :] + jnp.arange(_B)[:, None] * num_rows)
    idx = idx.reshape(-1).astype(jnp.int32)
    flat = x.reshape(_ROWS, _D)
    out = _shuffle_sc(flat, idx)
    return out.reshape(_B, _R, _D)

# --- scband reference (transcript-rebuilt; emitter-appended) ---
"""Pipeline reference for scband-shuffle-rows-64098091925586 (READ-ONLY COPY).

The authoritative reference and input builder live on the scoring server;
editing this copy changes nothing except your own understanding.
"""

import jax, jax.numpy as jnp
import numpy as np


def setup_inputs(seed: int = 0) -> dict:
    key = jax.random.key(seed)
    x = jax.random.normal(key, (4, 4096, 1024), dtype=jnp.float32)
    return {"x": x}


def reference(x):
    # ShuffleRows: build one random permutation of the row dimension and apply it
    # identically to every batch element (TF tiles the same shuffled index list
    # across the batch before gather_nd with batch_dims=1).
    num_rows = x.shape[1]
    perm = jax.random.permutation(jax.random.key(42), num_rows)
    # Gather rows along axis 1 (equivalent to tf.gather_nd(x, indices, batch_dims=1)
    # with the same per-batch index list).
    return jnp.take(x, perm, axis=1)

if __name__ == "__main__":
    import jax
    _d = setup_inputs()
    print(jax.jit(kernel)(*tuple(_d.values())))

</pallas_src>

<mosaic_0001>
#map = affine_map<(d0, d1) -> (0, 0)>
#map1 = affine_map<(d0, d1) -> (0)>
module attributes {stable_mosaic.version = 14 : i64} {
  func.func @_shuffle_sc(%arg0: i32, %arg1: i32, %arg2: memref<16384x1024xf32, #tpu.memory_space<hbm>>, %arg3: memref<16384xi32, #tpu.memory_space<hbm>>, %arg4: memref<16384x1024xf32, #tpu.memory_space<hbm>>, %arg5: memref<512xi32, #tpu.memory_space<vmem>>, %arg6: memref<3x32x1024xf32, #tpu.memory_space<vmem>>, %arg7: memref<!tpu.dma_semaphore, #tpu.memory_space<semaphore_mem>>, %arg8: memref<!tpu.dma_semaphore, #tpu.memory_space<semaphore_mem>>, %arg9: memref<!tpu.dma_semaphore, #tpu.memory_space<semaphore_mem>>, %arg10: memref<!tpu.dma_semaphore, #tpu.memory_space<semaphore_mem>>, %arg11: memref<!tpu.dma_semaphore, #tpu.memory_space<semaphore_mem>>, %arg12: memref<!tpu.dma_semaphore, #tpu.memory_space<semaphore_mem>>) attributes {dimension_semantics = [#tpu.dimension_semantics<core_parallel>, #tpu.dimension_semantics<subcore_parallel>], iteration_bounds = array<i64: 2, 16>, scalar_prefetch = 0 : i64, scratch_operands = 8 : i64, tpu.core_type = #tpu.core_type<sc_vector_subcore>, window_params = [{transform_indices = #map}, {transform_indices = #map1}, {transform_indices = #map}]} {
    %mul3A = arith.constant 2 : i32
    %mul3A_0 = arith.muli %arg1, %mul3A : i32
    %add3A = arith.addi %mul3A_0, %arg0 : i32
    %mul3A_1 = arith.constant 512 : i32
    %mul3A_2 = arith.muli %add3A, %mul3A_1 : i32
    "tpu.region"() ({
      %run_scoped3A = tpu.sem_alloc : memref<!tpu.dma_semaphore, #tpu.memory_space<semaphore_mem>>
      %dma_start3A_801 = tpu.memref_slice %arg3[%mul3A_2] : memref<16384xi32, #tpu.memory_space<hbm>> -> memref<512xi32, #tpu.memory_space<hbm>>
      %dma_start3A_802 = tpu.memref_slice %arg3[%mul3A_2] : memref<16384xi32, #tpu.memory_space<hbm>> -> memref<512xi32, #tpu.memory_space<hbm>>
      tpu.enqueue_dma source(%dma_start3A_802 : memref<512xi32, #tpu.memory_space<hbm>>) target(%arg5 : memref<512xi32, #tpu.memory_space<vmem>>) target_semaphore(%run_scoped3A : memref<!tpu.dma_semaphore, #tpu.memory_space<semaphore_mem>>)
      %dma_wait3A_803 = tpu.memref_slice %arg3[%mul3A_2] : memref<16384xi32, #tpu.memory_space<hbm>> -> memref<512xi32, #tpu.memory_space<hbm>>
      %dma_wait3A_804 = tpu.memref_slice %arg3[%mul3A_2] : memref<16384xi32, #tpu.memory_space<hbm>> -> memref<512xi32, #tpu.memory_space<hbm>>
      tpu.wait_dma2 semaphore(%run_scoped3A : memref<!tpu.dma_semaphore, #tpu.memory_space<semaphore_mem>>) src(%dma_wait3A_804 : memref<512xi32, #tpu.memory_space<hbm>>) dst(%arg5 : memref<512xi32, #tpu.memory_space<vmem>>)
      tpu.yield
    }) : () -> ()
    %dma_start3A = arith.constant 0 : i32
    %dma_start3A_3 = arith.constant 0 : i32
    %dma_start3A_4 = arith.constant 0 : i32
    %dma_start3A_5 = tpu.memref_slice %arg6[%dma_start3A, %dma_start3A_3, %dma_start3A_4] : memref<3x32x1024xf32, #tpu.memory_space<vmem>> -> memref<1x32x1024xf32, #tpu.memory_space<vmem>>
    %dma_start3A_6 = tpu.memref_squeeze %dma_start3A_5 : memref<1x32x1024xf32, #tpu.memory_space<vmem>> -> memref<32x1024xf32, #tpu.memory_space<vmem>>
    %dma_start3A_7 = arith.constant 0 : i32
    %dma_start3A_8 = tpu.memref_slice %arg5[%dma_start3A_7] : memref<512xi32, #tpu.memory_space<vmem>> -> memref<32xi32, #tpu.memory_space<vmem>>
    %dma_start3A_9 = arith.constant 0 : i32
    %dma_start3A_10 = arith.constant 0 : i32
    %dma_start3A_11 = tpu.memref_slice %arg2[%dma_start3A_9, %dma_start3A_10] : memref<16384x1024xf32, #tpu.memory_space<hbm>> -> memref<16384x1024xf32, #tpu.memory_space<hbm>>
    tpu.enqueue_indirect_dma source(%dma_start3A_11 : memref<16384x1024xf32, #tpu.memory_space<hbm>>) target(%dma_start3A_6 : memref<32x1024xf32, #tpu.memory_space<vmem>>) offsets(%dma_start3A_8 : memref<32xi32, #tpu.memory_space<vmem>>) semaphore(%arg7 : memref<!tpu.dma_semaphore, #tpu.memory_space<semaphore_mem>>)
    %dma_start3A_12 = arith.constant 1 : i32
    %dma_start3A_13 = arith.constant 0 : i32
    %dma_start3A_14 = arith.constant 0 : i32
    %dma_start3A_15 = tpu.memref_slice %arg6[%dma_start3A_12, %dma_start3A_13, %dma_start3A_14] : memref<3x32x1024xf32, #tpu.memory_space<vmem>> -> memref<1x32x1024xf32, #tpu.memory_space<vmem>>
    %dma_start3A_16 = tpu.memref_squeeze %dma_start3A_15 : memref<1x32x1024xf32, #tpu.memory_space<vmem>> -> memref<32x1024xf32, #tpu.memory_space<vmem>>
    %dma_start3A_17 = arith.constant 32 : i32
    %dma_start3A_18 = tpu.memref_slice %arg5[%dma_start3A_17] : memref<512xi32, #tpu.memory_space<vmem>> -> memref<32xi32, #tpu.memory_space<vmem>>
    %dma_start3A_19 = arith.constant 0 : i32
    %dma_start3A_20 = arith.constant 0 : i32
    %dma_start3A_21 = tpu.memref_slice %arg2[%dma_start3A_19, %dma_start3A_20] : memref<16384x1024xf32, #tpu.memory_space<hbm>> -> memref<16384x1024xf32, #tpu.memory_space<hbm>>
    tpu.enqueue_indirect_dma source(%dma_start3A_21 : memref<16384x1024xf32, #tpu.memory_space<hbm>>) target(%dma_start3A_16 : memref<32x1024xf32, #tpu.memory_space<vmem>>) offsets(%dma_start3A_18 : memref<32xi32, #tpu.memory_space<vmem>>) semaphore(%arg8 : memref<!tpu.dma_semaphore, #tpu.memory_space<semaphore_mem>>)
    %dma_wait3A = arith.constant 0 : i32
    %dma_wait3A_22 = arith.constant 0 : i32
    %dma_wait3A_23 = arith.constant 0 : i32
    %dma_wait3A_24 = tpu.memref_slice %arg6[%dma_wait3A, %dma_wait3A_22, %dma_wait3A_23] : memref<3x32x1024xf32, #tpu.memory_space<vmem>> -> memref<1x32x1024xf32, #tpu.memory_space<vmem>>
    %dma_wait3A_25 = tpu.memref_squeeze %dma_wait3A_24 : memref<1x32x1024xf32, #tpu.memory_space<vmem>> -> memref<32x1024xf32, #tpu.memory_space<vmem>>
    %dma_wait3A_26 = arith.constant 0 : i32
    %dma_wait3A_27 = tpu.memref_slice %arg5[%dma_wait3A_26] : memref<512xi32, #tpu.memory_space<vmem>> -> memref<32xi32, #tpu.memory_space<vmem>>
    %dma_wait3A_28 = arith.constant 0 : i32
    %dma_wait3A_29 = arith.constant 0 : i32
    %dma_wait3A_30 = tpu.memref_slice %arg2[%dma_wait3A_28, %dma_wait3A_29] : memref<16384x1024xf32, #tpu.memory_space<hbm>> -> memref<16384x1024xf32, #tpu.memory_space<hbm>>
    tpu.wait_indirect_dma semaphore(%arg7 : memref<!tpu.dma_semaphore, #tpu.memory_space<semaphore_mem>>) src(%dma_wait3A_30 : memref<16384x1024xf32, #tpu.memory_space<hbm>>) dst(%dma_wait3A_25 : memref<32x1024xf32, #tpu.memory_space<vmem>>)
    %add3A_31 = arith.constant 0 : i32
    %add3A_32 = arith.addi %mul3A_2, %add3A_31 : i32
    %dma_start3A_33 = arith.constant 0 : i32
    %dma_start3A_34 = arith.constant 0 : i32
    %dma_start3A_35 = arith.constant 0 : i32
    %dma_start3A_36 = tpu.memref_slice %arg6[%dma_start3A_33, %dma_start3A_34, %dma_start3A_35] : memref<3x32x1024xf32, #tpu.memory_space<vmem>> -> memref<1x32x1024xf32, #tpu.memory_space<vmem>>
    %dma_start3A_37 = tpu.memref_squeeze %dma_start3A_36 : memref<1x32x1024xf32, #tpu.memory_space<vmem>> -> memref<32x1024xf32, #tpu.memory_space<vmem>>
    %dma_start3A_38 = arith.constant 0 : i32
    %dma_start3A_39 = tpu.memref_slice %arg4[%add3A_32, %dma_start3A_38] : memref<16384x1024xf32, #tpu.memory_space<hbm>> -> memref<32x1024xf32, #tpu.memory_space<hbm>>
    %dma_start3A_40 = arith.constant 0 : i32
    %dma_start3A_41 = tpu.memref_slice %arg4[%add3A_32, %dma_start3A_40] : memref<16384x1024xf32, #tpu.memory_space<hbm>> -> memref<32x1024xf32, #tpu.memory_space<hbm>>
    %dma_start3A_42 = arith.constant 0 : i32
    %dma_start3A_43 = arith.constant 0 : i32
    %dma_start3A_44 = tpu.memref_slice %arg6[%dma_start3A_33, %dma_start3A_42, %dma_start3A_43] : memref<3x32x1024xf32, #tpu.memory_space<vmem>> -> memref<1x32x1024xf32, #tpu.memory_space<vmem>>
    %dma_start3A_45 = tpu.memref_squeeze %dma_start3A_44 : memref<1x32x1024xf32, #tpu.memory_space<vmem>> -> memref<32x1024xf32, #tpu.memory_space<vmem>>
    tpu.enqueue_dma source(%dma_start3A_45 : memref<32x1024xf32, #tpu.memory_space<vmem>>) target(%dma_start3A_41 : memref<32x1024xf32, #tpu.memory_space<hbm>>) target_semaphore(%arg10 : memref<!tpu.dma_semaphore, #tpu.memory_space<semaphore_mem>>)
    %dma_start3A_46 = arith.constant 2 : i32
    %dma_start3A_47 = arith.constant 0 : i32
    %dma_start3A_48 = arith.constant 0 : i32
    %dma_start3A_49 = tpu.memref_slice %arg6[%dma_start3A_46, %dma_start3A_47, %dma_start3A_48] : memref<3x32x1024xf32, #tpu.memory_space<vmem>> -> memref<1x32x1024xf32, #tpu.memory_space<vmem>>
    %dma_start3A_50 = tpu.memref_squeeze %dma_start3A_49 : memref<1x32x1024xf32, #tpu.memory_space<vmem>> -> memref<32x1024xf32, #tpu.memory_space<vmem>>
    %dma_start3A_51 = arith.constant 64 : i32
    %dma_start3A_52 = tpu.memref_slice %arg5[%dma_start3A_51] : memref<512xi32, #tpu.memory_space<vmem>> -> memref<32xi32, #tpu.memory_space<vmem>>
    %dma_start3A_53 = arith.constant 0 : i32
    %dma_start3A_54 = arith.constant 0 : i32
    %dma_start3A_55 = tpu.memref_slice %arg2[%dma_start3A_53, %dma_start3A_54] : memref<16384x1024xf32, #tpu.memory_space<hbm>> -> memref<16384x1024xf32, #tpu.memory_space<hbm>>
    tpu.enqueue_indirect_dma source(%dma_start3A_55 : memref<16384x1024xf32, #tpu.memory_space<hbm>>) target(%dma_start3A_50 : memref<32x1024xf32, #tpu.memory_space<vmem>>) offsets(%dma_start3A_52 : memref<32xi32, #tpu.memory_space<vmem>>) semaphore(%arg9 : memref<!tpu.dma_semaphore, #tpu.memory_space<semaphore_mem>>)
    %dma_wait3A_56 = arith.constant 1 : i32
    %dma_wait3A_57 = arith.constant 0 : i32
    %dma_wait3A_58 = arith.constant 0 : i32
    %dma_wait3A_59 = tpu.memref_slice %arg6[%dma_wait3A_56, %dma_wait3A_57, %dma_wait3A_58] : memref<3x32x1024xf32, #tpu.memory_space<vmem>> -> memref<1x32x1024xf32, #tpu.memory_space<vmem>>
    %dma_wait3A_60 = tpu.memref_squeeze %dma_wait3A_59 : memref<1x32x1024xf32, #tpu.memory_space<vmem>> -> memref<32x1024xf32, #tpu.memory_space<vmem>>
    %dma_wait3A_61 = arith.constant 32 : i32
    %dma_wait3A_62 = tpu.memref_slice %arg5[%dma_wait3A_61] : memref<512xi32, #tpu.memory_space<vmem>> -> memref<32xi32, #tpu.memory_space<vmem>>
    %dma_wait3A_63 = arith.constant 0 : i32
    %dma_wait3A_64 = arith.constant 0 : i32
    %dma_wait3A_65 = tpu.memref_slice %arg2[%dma_wait3A_63, %dma_wait3A_64] : memref<16384x1024xf32, #tpu.memory_space<hbm>> -> memref<16384x1024xf32, #tpu.memory_space<hbm>>
    tpu.wait_indirect_dma semaphore(%arg8 : memref<!tpu.dma_semaphore, #tpu.memory_space<semaphore_mem>>) src(%dma_wait3A_65 : memref<16384x1024xf32, #tpu.memory_space<hbm>>) dst(%dma_wait3A_60 : memref<32x1024xf32, #tpu.memory_space<vmem>>)
    %add3A_66 = arith.constant 32 : i32
    %add3A_67 = arith.addi %mul3A_2, %add3A_66 : i32
    %dma_start3A_68 = arith.constant 1 : i32
    %dma_start3A_69 = arith.constant 0 : i32
    %dma_start3A_70 = arith.constant 0 : i32
    %dma_start3A_71 = tpu.memref_slice %arg6[%dma_start3A_68, %dma_start3A_69, %dma_start3A_70] : memref<3x32x1024xf32, #tpu.memory_space<vmem>> -> memref<1x32x1024xf32, #tpu.memory_space<vmem>>
    %dma_start3A_72 = tpu.memref_squeeze %dma_start3A_71 : memref<1x32x1024xf32, #tpu.memory_space<vmem>> -> memref<32x1024xf32, #tpu.memory_space<vmem>>
    %dma_start3A_73 = arith.constant 0 : i32
    %dma_start3A_74 = tpu.memref_slice %arg4[%add3A_67, %dma_start3A_73] : memref<16384x1024xf32, #tpu.memory_space<hbm>> -> memref<32x1024xf32, #tpu.memory_space<hbm>>
    %dma_start3A_75 = arith.constant 0 : i32
    %dma_start3A_76 = tpu.memref_slice %arg4[%add3A_67, %dma_start3A_75] : memref<16384x1024xf32, #tpu.memory_space<hbm>> -> memref<32x1024xf32, #tpu.memory_space<hbm>>
    %dma_start3A_77 = arith.constant 0 : i32
    %dma_start3A_78 = arith.constant 0 : i32
    %dma_start3A_79 = tpu.memref_slice %arg6[%dma_start3A_68, %dma_start3A_77, %dma_start3A_78] : memref<3x32x1024xf32, #tpu.memory_space<vmem>> -> memref<1x32x1024xf32, #tpu.memory_space<vmem>>
    %dma_start3A_80 = tpu.memref_squeeze %dma_start3A_79 : memref<1x32x1024xf32, #tpu.memory_space<vmem>> -> memref<32x1024xf32, #tpu.memory_space<vmem>>
    tpu.enqueue_dma source(%dma_start3A_80 : memref<32x1024xf32, #tpu.memory_space<vmem>>) target(%dma_start3A_76 : memref<32x1024xf32, #tpu.memory_space<hbm>>) target_semaphore(%arg11 : memref<!tpu.dma_semaphore, #tpu.memory_space<semaphore_mem>>)
    %add3A_81 = arith.constant 0 : i32
    %add3A_82 = arith.addi %mul3A_2, %add3A_81 : i32
    %dma_wait3A_83 = arith.constant 0 : i32
    %dma_wait3A_84 = arith.constant 0 : i32
    %dma_wait3A_85 = arith.constant 0 : i32
    %dma_wait3A_86 = tpu.memref_slice %arg6[%dma_wait3A_83, %dma_wait3A_84, %dma_wait3A_85] : memref<3x32x1024xf32, #tpu.memory_space<vmem>> -> memref<1x32x1024xf32, #tpu.memory_space<vmem>>
    %dma_wait3A_87 = tpu.memref_squeeze %dma_wait3A_86 : memref<1x32x1024xf32, #tpu.memory_space<vmem>> -> memref<32x1024xf32, #tpu.memory_space<vmem>>
    %dma_wait3A_88 = arith.constant 0 : i32
    %dma_wait3A_89 = tpu.memref_slice %arg4[%add3A_82, %dma_wait3A_88] : memref<16384x1024xf32, #tpu.memory_space<hbm>> -> memref<32x1024xf32, #tpu.memory_space<hbm>>
    %dma_wait3A_90 = arith.constant 0 : i32
    %dma_wait3A_91 = tpu.memref_slice %arg4[%add3A_82, %dma_wait3A_90] : memref<16384x1024xf32, #tpu.memory_space<hbm>> -> memref<32x1024xf32, #tpu.memory_space<hbm>>
    %dma_wait3A_92 = arith.constant 0 : i32
    %dma_wait3A_93 = arith.constant 0 : i32
    %dma_wait3A_94 = tpu.memref_slice %arg6[%dma_wait3A_83, %dma_wait3A_92, %dma_wait3A_93] : memref<3x32x1024xf32, #tpu.memory_space<vmem>> -> memref<1x32x1024xf32, #tpu.memory_space<vmem>>
    %dma_wait3A_95 = tpu.memref_squeeze %dma_wait3A_94 : memref<1x32x1024xf32, #tpu.memory_space<vmem>> -> memref<32x1024xf32, #tpu.memory_space<vmem>>
    tpu.wait_dma2 semaphore(%arg10 : memref<!tpu.dma_semaphore, #tpu.memory_space<semaphore_mem>>) src(%dma_wait3A_95 : memref<32x1024xf32, #tpu.memory_space<vmem>>) dst(%dma_wait3A_91 : memref<32x1024xf32, #tpu.memory_space<hbm>>)
    %dma_start3A_96 = arith.constant 0 : i32
    %dma_start3A_97 = arith.constant 0 : i32
    %dma_start3A_98 = arith.constant 0 : i32
    %dma_start3A_99 = tpu.memref_slice %arg6[%dma_start3A_96, %dma_start3A_97, %dma_start3A_98] : memref<3x32x1024xf32, #tpu.memory_space<vmem>> -> memref<1x32x1024xf32, #tpu.memory_space<vmem>>
    %dma_start3A_100 = tpu.memref_squeeze %dma_start3A_99 : memref<1x32x1024xf32, #tpu.memory_space<vmem>> -> memref<32x1024xf32, #tpu.memory_space<vmem>>
    %dma_start3A_101 = arith.constant 96 : i32
    %dma_start3A_102 = tpu.memref_slice %arg5[%dma_start3A_101] : memref<512xi32, #tpu.memory_space<vmem>> -> memref<32xi32, #tpu.memory_space<vmem>>
    %dma_start3A_103 = arith.constant 0 : i32
    %dma_start3A_104 = arith.constant 0 : i32
    %dma_start3A_105 = tpu.memref_slice %arg2[%dma_start3A_103, %dma_start3A_104] : memref<16384x1024xf32, #tpu.memory_space<hbm>> -> memref<16384x1024xf32, #tpu.memory_space<hbm>>
    tpu.enqueue_indirect_dma source(%dma_start3A_105 : memref<16384x1024xf32, #tpu.memory_space<hbm>>) target(%dma_start3A_100 : memref<32x1024xf32, #tpu.memory_space<vmem>>) offsets(%dma_start3A_102 : memref<32xi32, #tpu.memory_space<vmem>>) semaphore(%arg7 : memref<!tpu.dma_semaphore, #tpu.memory_space<semaphore_mem>>)
    %dma_wait3A_106 = arith.constant 2 : i32
    %dma_wait3A_107 = arith.constant 0 : i32
    %dma_wait3A_108 = arith.constant 0 : i32
    %dma_wait3A_109 = tpu.memref_slice %arg6[%dma_wait3A_106, %dma_wait3A_107, %dma_wait3A_108] : memref<3x32x1024xf32, #tpu.memory_space<vmem>> -> memref<1x32x1024xf32, #tpu.memory_space<vmem>>
    %dma_wait3A_110 = tpu.memref_squeeze %dma_wait3A_109 : memref<1x32x1024xf32, #tpu.memory_space<vmem>> -> memref<32x1024xf32, #tpu.memory_space<vmem>>
    %dma_wait3A_111 = arith.constant 64 : i32
    %dma_wait3A_112 = tpu.memref_slice %arg5[%dma_wait3A_111] : memref<512xi32, #tpu.memory_space<vmem>> -> memref<32xi32, #tpu.memory_space<vmem>>
    %dma_wait3A_113 = arith.constant 0 : i32
    %dma_wait3A_114 = arith.constant 0 : i32
    %dma_wait3A_115 = tpu.memref_slice %arg2[%dma_wait3A_113, %dma_wait3A_114] : memref<16384x1024xf32, #tpu.memory_space<hbm>> -> memref<16384x1024xf32, #tpu.memory_space<hbm>>
    tpu.wait_indirect_dma semaphore(%arg9 : memref<!tpu.dma_semaphore, #tpu.memory_space<semaphore_mem>>) src(%dma_wait3A_115 : memref<16384x1024xf32, #tpu.memory_space<hbm>>) dst(%dma_wait3A_110 : memref<32x1024xf32, #tpu.memory_space<vmem>>)
    %add3A_116 = arith.constant 64 : i32
    %add3A_117 = arith.addi %mul3A_2, %add3A_116 : i32
    %dma_start3A_118 = arith.constant 2 : i32
    %dma_start3A_119 = arith.constant 0 : i32
    %dma_start3A_120 = arith.constant 0 : i32
    %dma_start3A_121 = tpu.memref_slice %arg6[%dma_start3A_118, %dma_start3A_119, %dma_start3A_120] : memref<3x32x1024xf32, #tpu.memory_space<vmem>> -> memref<1x32x1024xf32, #tpu.memory_space<vmem>>
    %dma_start3A_122 = tpu.memref_squeeze %dma_start3A_121 : memref<1x32x1024xf32, #tpu.memory_space<vmem>> -> memref<32x1024xf32, #tpu.memory_space<vmem>>
    %dma_start3A_123 = arith.constant 0 : i32
    %dma_start3A_124 = tpu.memref_slice %arg4[%add3A_117, %dma_start3A_123] : memref<16384x1024xf32, #tpu.memory_space<hbm>> -> memref<32x1024xf32, #tpu.memory_space<hbm>>
    %dma_start3A_125 = arith.constant 0 : i32
    %dma_start3A_126 = tpu.memref_slice %arg4[%add3A_117, %dma_start3A_125] : memref<16384x1024xf32, #tpu.memory_space<hbm>> -> memref<32x1024xf32, #tpu.memory_space<hbm>>
    %dma_start3A_127 = arith.constant 0 : i32
    %dma_start3A_128 = arith.constant 0 : i32
    %dma_start3A_129 = tpu.memref_slice %arg6[%dma_start3A_118, %dma_start3A_127, %dma_start3A_128] : memref<3x32x1024xf32, #tpu.memory_space<vmem>> -> memref<1x32x1024xf32, #tpu.memory_space<vmem>>
    %dma_start3A_130 = tpu.memref_squeeze %dma_start3A_129 : memref<1x32x1024xf32, #tpu.memory_space<vmem>> -> memref<32x1024xf32, #tpu.memory_space<vmem>>
    tpu.enqueue_dma source(%dma_start3A_130 : memref<32x1024xf32, #tpu.memory_space<vmem>>) target(%dma_start3A_126 : memref<32x1024xf32, #tpu.memory_space<hbm>>) target_semaphore(%arg12 : memref<!tpu.dma_semaphore, #tpu.memory_space<semaphore_mem>>)
    %add3A_131 = arith.constant 32 : i32
    %add3A_132 = arith.addi %mul3A_2, %add3A_131 : i32
    %dma_wait3A_133 = arith.constant 1 : i32
    %dma_wait3A_134 = arith.constant 0 : i32
    %dma_wait3A_135 = arith.constant 0 : i32
    %dma_wait3A_136 = tpu.memref_slice %arg6[%dma_wait3A_133, %dma_wait3A_134, %dma_wait3A_135] : memref<3x32x1024xf32, #tpu.memory_space<vmem>> -> memref<1x32x1024xf32, #tpu.memory_space<vmem>>
    %dma_wait3A_137 = tpu.memref_squeeze %dma_wait3A_136 : memref<1x32x1024xf32, #tpu.memory_space<vmem>> -> memref<32x1024xf32, #tpu.memory_space<vmem>>
    %dma_wait3A_138 = arith.constant 0 : i32
    %dma_wait3A_139 = tpu.memref_slice %arg4[%add3A_132, %dma_wait3A_138] : memref<16384x1024xf32, #tpu.memory_space<hbm>> -> memref<32x1024xf32, #tpu.memory_space<hbm>>
    %dma_wait3A_140 = arith.constant 0 : i32
    %dma_wait3A_141 = tpu.memref_slice %arg4[%add3A_132, %dma_wait3A_140] : memref<16384x1024xf32, #tpu.memory_space<hbm>> -> memref<32x1024xf32, #tpu.memory_space<hbm>>
    %dma_wait3A_142 = arith.constant 0 : i32
    %dma_wait3A_143 = arith.constant 0 : i32
    %dma_wait3A_144 = tpu.memref_slice %arg6[%dma_wait3A_133, %dma_wait3A_142, %dma_wait3A_143] : memref<3x32x1024xf32, #tpu.memory_space<vmem>> -> memref<1x32x1024xf32, #tpu.memory_space<vmem>>
    %dma_wait3A_145 = tpu.memref_squeeze %dma_wait3A_144 : memref<1x32x1024xf32, #tpu.memory_space<vmem>> -> memref<32x1024xf32, #tpu.memory_space<vmem>>
    tpu.wait_dma2 semaphore(%arg11 : memref<!tpu.dma_semaphore, #tpu.memory_space<semaphore_mem>>) src(%dma_wait3A_145 : memref<32x1024xf32, #tpu.memory_space<vmem>>) dst(%dma_wait3A_141 : memref<32x1024xf32, #tpu.memory_space<hbm>>)
    %dma_start3A_146 = arith.constant 1 : i32
    %dma_start3A_147 = arith.constant 0 : i32
    %dma_start3A_148 = arith.constant 0 : i32
    %dma_start3A_149 = tpu.memref_slice %arg6[%dma_start3A_146, %dma_start3A_147, %dma_start3A_148] : memref<3x32x1024xf32, #tpu.memory_space<vmem>> -> memref<1x32x1024xf32, #tpu.memory_space<vmem>>
    %dma_start3A_150 = tpu.memref_squeeze %dma_start3A_149 : memref<1x32x1024xf32, #tpu.memory_space<vmem>> -> memref<32x1024xf32, #tpu.memory_space<vmem>>
    %dma_start3A_151 = arith.constant 128 : i32
    %dma_start3A_152 = tpu.memref_slice %arg5[%dma_start3A_151] : memref<512xi32, #tpu.memory_space<vmem>> -> memref<32xi32, #tpu.memory_space<vmem>>
    %dma_start3A_153 = arith.constant 0 : i32
    %dma_start3A_154 = arith.constant 0 : i32
    %dma_start3A_155 = tpu.memref_slice %arg2[%dma_start3A_153, %dma_start3A_154] : memref<16384x1024xf32, #tpu.memory_space<hbm>> -> memref<16384x1024xf32, #tpu.memory_space<hbm>>
    tpu.enqueue_indirect_dma source(%dma_start3A_155 : memref<16384x1024xf32, #tpu.memory_space<hbm>>) target(%dma_start3A_150 : memref<32x1024xf32, #tpu.memory_space<vmem>>) offsets(%dma_start3A_152 : memref<32xi32, #tpu.memory_space<vmem>>) semaphore(%arg8 : memref<!tpu.dma_semaphore, #tpu.memory_space<semaphore_mem>>)
    %dma_wait3A_156 = arith.constant 0 : i32
    %dma_wait3A_157 = arith.constant 0 : i32
    %dma_wait3A_158 = arith.constant 0 : i32
    %dma_wait3A_159 = tpu.memref_slice %arg6[%dma_wait3A_156, %dma_wait3A_157, %dma_wait3A_158] : memref<3x32x1024xf32, #tpu.memory_space<vmem>> -> memref<1x32x1024xf32, #tpu.memory_space<vmem>>
    %dma_wait3A_160 = tpu.memref_squeeze %dma_wait3A_159 : memref<1x32x1024xf32, #tpu.memory_space<vmem>> -> memref<32x1024xf32, #tpu.memory_space<vmem>>
    %dma_wait3A_161 = arith.constant 96 : i32
    %dma_wait3A_162 = tpu.memref_slice %arg5[%dma_wait3A_161] : memref<512xi32, #tpu.memory_space<vmem>> -> memref<32xi32, #tpu.memory_space<vmem>>
    %dma_wait3A_163 = arith.constant 0 : i32
    %dma_wait3A_164 = arith.constant 0 : i32
    %dma_wait3A_165 = tpu.memref_slice %arg2[%dma_wait3A_163, %dma_wait3A_164] : memref<16384x1024xf32, #tpu.memory_space<hbm>> -> memref<16384x1024xf32, #tpu.memory_space<hbm>>
    tpu.wait_indirect_dma semaphore(%arg7 : memref<!tpu.dma_semaphore, #tpu.memory_space<semaphore_mem>>) src(%dma_wait3A_165 : memref<16384x1024xf32, #tpu.memory_space<hbm>>) dst(%dma_wait3A_160 : memref<32x1024xf32, #tpu.memory_space<vmem>>)
    %add3A_166 = arith.constant 96 : i32
    %add3A_167 = arith.addi %mul3A_2, %add3A_166 : i32
    %dma_start3A_168 = arith.constant 0 : i32
    %dma_start3A_169 = arith.constant 0 : i32
    %dma_start3A_170 = arith.constant 0 : i32
    %dma_start3A_171 = tpu.memref_slice %arg6[%dma_start3A_168, %dma_start3A_169, %dma_start3A_170] : memref<3x32x1024xf32, #tpu.memory_space<vmem>> -> memref<1x32x1024xf32, #tpu.memory_space<vmem>>
    %dma_start3A_172 = tpu.memref_squeeze %dma_start3A_171 : memref<1x32x1024xf32, #tpu.memory_space<vmem>> -> memref<32x1024xf32, #tpu.memory_space<vmem>>
    %dma_start3A_173 = arith.constant 0 : i32
    %dma_start3A_174 = tpu.memref_slice %arg4[%add3A_167, %dma_start3A_173] : memref<16384x1024xf32, #tpu.memory_space<hbm>> -> memref<32x1024xf32, #tpu.memory_space<hbm>>
    %dma_start3A_175 = arith.constant 0 : i32
    %dma_start3A_176 = tpu.memref_slice %arg4[%add3A_167, %dma_start3A_175] : memref<16384x1024xf32, #tpu.memory_space<hbm>> -> memref<32x1024xf32, #tpu.memory_space<hbm>>
    %dma_start3A_177 = arith.constant 0 : i32
    %dma_start3A_178 = arith.constant 0 : i32
    %dma_start3A_179 = tpu.memref_slice %arg6[%dma_start3A_168, %dma_start3A_177, %dma_start3A_178] : memref<3x32x1024xf32, #tpu.memory_space<vmem>> -> memref<1x32x1024xf32, #tpu.memory_space<vmem>>
    %dma_start3A_180 = tpu.memref_squeeze %dma_start3A_179 : memref<1x32x1024xf32, #tpu.memory_space<vmem>> -> memref<32x1024xf32, #tpu.memory_space<vmem>>
    tpu.enqueue_dma source(%dma_start3A_180 : memref<32x1024xf32, #tpu.memory_space<vmem>>) target(%dma_start3A_176 : memref<32x1024xf32, #tpu.memory_space<hbm>>) target_semaphore(%arg10 : memref<!tpu.dma_semaphore, #tpu.memory_space<semaphore_mem>>)
    %add3A_181 = arith.constant 64 : i32
    %add3A_182 = arith.addi %mul3A_2, %add3A_181 : i32
    %dma_wait3A_183 = arith.constant 2 : i32
    %dma_wait3A_184 = arith.constant 0 : i32
    %dma_wait3A_185 = arith.constant 0 : i32
    %dma_wait3A_186 = tpu.memref_slice %arg6[%dma_wait3A_183, %dma_wait3A_184, %dma_wait3A_185] : memref<3x32x1024xf32, #tpu.memory_space<vmem>> -> memref<1x32x1024xf32, #tpu.memory_space<vmem>>
    %dma_wait3A_187 = tpu.memref_squeeze %dma_wait3A_186 : memref<1x32x1024xf32, #tpu.memory_space<vmem>> -> memref<32x1024xf32, #tpu.memory_space<vmem>>
    %dma_wait3A_188 = arith.constant 0 : i32
    %dma_wait3A_189 = tpu.memref_slice %arg4[%add3A_182, %dma_wait3A_188] : memref<16384x1024xf32, #tpu.memory_space<hbm>> -> memref<32x1024xf32, #tpu.memory_space<hbm>>
    %dma_wait3A_190 = arith.constant 0 : i32
    %dma_wait3A_191 = tpu.memref_slice %arg4[%add3A_182, %dma_wait3A_190] : memref<16384x1024xf32, #tpu.memory_space<hbm>> -> memref<32x1024xf32, #tpu.memory_space<hbm>>
    %dma_wait3A_192 = arith.constant 0 : i32
    %dma_wait3A_193 = arith.constant 0 : i32
    %dma_wait3A_194 = tpu.memref_slice %arg6[%dma_wait3A_183, %dma_wait3A_192, %dma_wait3A_193] : memref<3x32x1024xf32, #tpu.memory_space<vmem>> -> memref<1x32x1024xf32, #tpu.memory_space<vmem>>
    %dma_wait3A_195 = tpu.memref_squeeze %dma_wait3A_194 : memref<1x32x1024xf32, #tpu.memory_space<vmem>> -> memref<32x1024xf32, #tpu.memory_space<vmem>>
    tpu.wait_dma2 semaphore(%arg12 : memref<!tpu.dma_semaphore, #tpu.memory_space<semaphore_mem>>) src(%dma_wait3A_195 : memref<32x1024xf32, #tpu.memory_space<vmem>>) dst(%dma_wait3A_191 : memref<32x1024xf32, #tpu.memory_space<hbm>>)
    %dma_start3A_196 = arith.constant 2 : i32
    %dma_start3A_197 = arith.constant 0 : i32
    %dma_start3A_198 = arith.constant 0 : i32
    %dma_start3A_199 = tpu.memref_slice %arg6[%dma_start3A_196, %dma_start3A_197, %dma_start3A_198] : memref<3x32x1024xf32, #tpu.memory_space<vmem>> -> memref<1x32x1024xf32, #tpu.memory_space<vmem>>
    %dma_start3A_200 = tpu.memref_squeeze %dma_start3A_199 : memref<1x32x1024xf32, #tpu.memory_space<vmem>> -> memref<32x1024xf32, #tpu.memory_space<vmem>>
    %dma_start3A_201 = arith.constant 160 : i32
    %dma_start3A_202 = tpu.memref_slice %arg5[%dma_start3A_201] : memref<512xi32, #tpu.memory_space<vmem>> -> memref<32xi32, #tpu.memory_space<vmem>>
    %dma_start3A_203 = arith.constant 0 : i32
    %dma_start3A_204 = arith.constant 0 : i32
    %dma_start3A_205 = tpu.memref_slice %arg2[%dma_start3A_203, %dma_start3A_204] : memref<16384x1024xf32, #tpu.memory_space<hbm>> -> memref<16384x1024xf32, #tpu.memory_space<hbm>>
    tpu.enqueue_indirect_dma source(%dma_start3A_205 : memref<16384x1024xf32, #tpu.memory_space<hbm>>) target(%dma_start3A_200 : memref<32x1024xf32, #tpu.memory_space<vmem>>) offsets(%dma_start3A_202 : memref<32xi32, #tpu.memory_space<vmem>>) semaphore(%arg9 : memref<!tpu.dma_semaphore, #tpu.memory_space<semaphore_mem>>)
    %dma_wait3A_206 = arith.constant 1 : i32
    %dma_wait3A_207 = arith.constant 0 : i32
    %dma_wait3A_208 = arith.constant 0 : i32
    %dma_wait3A_209 = tpu.memref_slice %arg6[%dma_wait3A_206, %dma_wait3A_207, %dma_wait3A_208] : memref<3x32x1024xf32, #tpu.memory_space<vmem>> -> memref<1x32x1024xf32, #tpu.memory_space<vmem>>
    %dma_wait3A_210 = tpu.memref_squeeze %dma_wait3A_209 : memref<1x32x1024xf32, #tpu.memory_space<vmem>> -> memref<32x1024xf32, #tpu.memory_space<vmem>>
    %dma_wait3A_211 = arith.constant 128 : i32
    %dma_wait3A_212 = tpu.memref_slice %arg5[%dma_wait3A_211] : memref<512xi32, #tpu.memory_space<vmem>> -> memref<32xi32, #tpu.memory_space<vmem>>
    %dma_wait3A_213 = arith.constant 0 : i32
    %dma_wait3A_214 = arith.constant 0 : i32
    %dma_wait3A_215 = tpu.memref_slice %arg2[%dma_wait3A_213, %dma_wait3A_214] : memref<16384x1024xf32, #tpu.memory_space<hbm>> -> memref<16384x1024xf32, #tpu.memory_space<hbm>>
    tpu.wait_indirect_dma semaphore(%arg8 : memref<!tpu.dma_semaphore, #tpu.memory_space<semaphore_mem>>) src(%dma_wait3A_215 : memref<16384x1024xf32, #tpu.memory_space<hbm>>) dst(%dma_wait3A_210 : memref<32x1024xf32, #tpu.memory_space<vmem>>)
    %add3A_216 = arith.constant 128 : i32
    %add3A_217 = arith.addi %mul3A_2, %add3A_216 : i32
    %dma_start3A_218 = arith.constant 1 : i32
    %dma_start3A_219 = arith.constant 0 : i32
    %dma_start3A_220 = arith.constant 0 : i32
    %dma_start3A_221 = tpu.memref_slice %arg6[%dma_start3A_218, %dma_start3A_219, %dma_start3A_220] : memref<3x32x1024xf32, #tpu.memory_space<vmem>> -> memref<1x32x1024xf32, #tpu.memory_space<vmem>>
    %dma_start3A_222 = tpu.memref_squeeze %dma_start3A_221 : memref<1x32x1024xf32, #tpu.memory_space<vmem>> -> memref<32x1024xf32, #tpu.memory_space<vmem>>
    %dma_start3A_223 = arith.constant 0 : i32
    %dma_start3A_224 = tpu.memref_slice %arg4[%add3A_217, %dma_start3A_223] : memref<16384x1024xf32, #tpu.memory_space<hbm>> -> memref<32x1024xf32, #tpu.memory_space<hbm>>
    %dma_start3A_225 = arith.constant 0 : i32
    %dma_start3A_226 = tpu.memref_slice %arg4[%add3A_217, %dma_start3A_225] : memref<16384x1024xf32, #tpu.memory_space<hbm>> -> memref<32x1024xf32, #tpu.memory_space<hbm>>
    %dma_start3A_227 = arith.constant 0 : i32
    %dma_start3A_228 = arith.constant 0 : i32
    %dma_start3A_229 = tpu.memref_slice %arg6[%dma_start3A_218, %dma_start3A_227, %dma_start3A_228] : memref<3x32x1024xf32, #tpu.memory_space<vmem>> -> memref<1x32x1024xf32, #tpu.memory_space<vmem>>
    %dma_start3A_230 = tpu.memref_squeeze %dma_start3A_229 : memref<1x32x1024xf32, #tpu.memory_space<vmem>> -> memref<32x1024xf32, #tpu.memory_space<vmem>>
    tpu.enqueue_dma source(%dma_start3A_230 : memref<32x1024xf32, #tpu.memory_space<vmem>>) target(%dma_start3A_226 : memref<32x1024xf32, #tpu.memory_space<hbm>>) target_semaphore(%arg11 : memref<!tpu.dma_semaphore, #tpu.memory_space<semaphore_mem>>)
    %add3A_231 = arith.constant 96 : i32
    %add3A_232 = arith.addi %mul3A_2, %add3A_231 : i32
    %dma_wait3A_233 = arith.constant 0 : i32
    %dma_wait3A_234 = arith.constant 0 : i32
    %dma_wait3A_235 = arith.constant 0 : i32
    %dma_wait3A_236 = tpu.memref_slice %arg6[%dma_wait3A_233, %dma_wait3A_234, %dma_wait3A_235] : memref<3x32x1024xf32, #tpu.memory_space<vmem>> -> memref<1x32x1024xf32, #tpu.memory_space<vmem>>
    %dma_wait3A_237 = tpu.memref_squeeze %dma_wait3A_236 : memref<1x32x1024xf32, #tpu.memory_space<vmem>> -> memref<32x1024xf32, #tpu.memory_space<vmem>>
    %dma_wait3A_238 = arith.constant 0 : i32
    %dma_wait3A_239 = tpu.memref_slice %arg4[%add3A_232, %dma_wait3A_238] : memref<16384x1024xf32, #tpu.memory_space<hbm>> -> memref<32x1024xf32, #tpu.memory_space<hbm>>
    %dma_wait3A_240 = arith.constant 0 : i32
    %dma_wait3A_241 = tpu.memref_slice %arg4[%add3A_232, %dma_wait3A_240] : memref<16384x1024xf32, #tpu.memory_space<hbm>> -> memref<32x1024xf32, #tpu.memory_space<hbm>>
    %dma_wait3A_242 = arith.constant 0 : i32
    %dma_wait3A_243 = arith.constant 0 : i32
    %dma_wait3A_244 = tpu.memref_slice %arg6[%dma_wait3A_233, %dma_wait3A_242, %dma_wait3A_243] : memref<3x32x1024xf32, #tpu.memory_space<vmem>> -> memref<1x32x1024xf32, #tpu.memory_space<vmem>>
    %dma_wait3A_245 = tpu.memref_squeeze %dma_wait3A_244 : memref<1x32x1024xf32, #tpu.memory_space<vmem>> -> memref<32x1024xf32, #tpu.memory_space<vmem>>
    tpu.wait_dma2 semaphore(%arg10 : memref<!tpu.dma_semaphore, #tpu.memory_space<semaphore_mem>>) src(%dma_wait3A_245 : memref<32x1024xf32, #tpu.memory_space<vmem>>) dst(%dma_wait3A_241 : memref<32x1024xf32, #tpu.memory_space<hbm>>)
    %dma_start3A_246 = arith.constant 0 : i32
    %dma_start3A_247 = arith.constant 0 : i32
    %dma_start3A_248 = arith.constant 0 : i32
    %dma_start3A_249 = tpu.memref_slice %arg6[%dma_start3A_246, %dma_start3A_247, %dma_start3A_248] : memref<3x32x1024xf32, #tpu.memory_space<vmem>> -> memref<1x32x1024xf32, #tpu.memory_space<vmem>>
    %dma_start3A_250 = tpu.memref_squeeze %dma_start3A_249 : memref<1x32x1024xf32, #tpu.memory_space<vmem>> -> memref<32x1024xf32, #tpu.memory_space<vmem>>
    %dma_start3A_251 = arith.constant 192 : i32
    %dma_start3A_252 = tpu.memref_slice %arg5[%dma_start3A_251] : memref<512xi32, #tpu.memory_space<vmem>> -> memref<32xi32, #tpu.memory_space<vmem>>
    %dma_start3A_253 = arith.constant 0 : i32
    %dma_start3A_254 = arith.constant 0 : i32
    %dma_start3A_255 = tpu.memref_slice %arg2[%dma_start3A_253, %dma_start3A_254] : memref<16384x1024xf32, #tpu.memory_space<hbm>> -> memref<16384x1024xf32, #tpu.memory_space<hbm>>
    tpu.enqueue_indirect_dma source(%dma_start3A_255 : memref<16384x1024xf32, #tpu.memory_space<hbm>>) target(%dma_start3A_250 : memref<32x1024xf32, #tpu.memory_space<vmem>>) offsets(%dma_start3A_252 : memref<32xi32, #tpu.memory_space<vmem>>) semaphore(%arg7 : memref<!tpu.dma_semaphore, #tpu.memory_space<semaphore_mem>>)
    %dma_wait3A_256 = arith.constant 2 : i32
    %dma_wait3A_257 = arith.constant 0 : i32
    %dma_wait3A_258 = arith.constant 0 : i32
    %dma_wait3A_259 = tpu.memref_slice %arg6[%dma_wait3A_256, %dma_wait3A_257, %dma_wait3A_258] : memref<3x32x1024xf32, #tpu.memory_space<vmem>> -> memref<1x32x1024xf32, #tpu.memory_space<vmem>>
    %dma_wait3A_260 = tpu.memref_squeeze %dma_wait3A_259 : memref<1x32x1024xf32, #tpu.memory_space<vmem>> -> memref<32x1024xf32, #tpu.memory_space<vmem>>
    %dma_wait3A_261 = arith.constant 160 : i32
    %dma_wait3A_262 = tpu.memref_slice %arg5[%dma_wait3A_261] : memref<512xi32, #tpu.memory_space<vmem>> -> memref<32xi32, #tpu.memory_space<vmem>>
    %dma_wait3A_263 = arith.constant 0 : i32
    %dma_wait3A_264 = arith.constant 0 : i32
    %dma_wait3A_265 = tpu.memref_slice %arg2[%dma_wait3A_263, %dma_wait3A_264] : memref<16384x1024xf32, #tpu.memory_space<hbm>> -> memref<16384x1024xf32, #tpu.memory_space<hbm>>
    tpu.wait_indirect_dma semaphore(%arg9 : memref<!tpu.dma_semaphore, #tpu.memory_space<semaphore_mem>>) src(%dma_wait3A_265 : memref<16384x1024xf32, #tpu.memory_space<hbm>>) dst(%dma_wait3A_260 : memref<32x1024xf32, #tpu.memory_space<vmem>>)
    %add3A_266 = arith.constant 160 : i32
    %add3A_267 = arith.addi %mul3A_2, %add3A_266 : i32
    %dma_start3A_268 = arith.constant 2 : i32
    %dma_start3A_269 = arith.constant 0 : i32
    %dma_start3A_270 = arith.constant 0 : i32
    %dma_start3A_271 = tpu.memref_slice %arg6[%dma_start3A_268, %dma_start3A_269, %dma_start3A_270] : memref<3x32x1024xf32, #tpu.memory_space<vmem>> -> memref<1x32x1024xf32, #tpu.memory_space<vmem>>
    %dma_start3A_272 = tpu.memref_squeeze %dma_start3A_271 : memref<1x32x1024xf32, #tpu.memory_space<vmem>> -> memref<32x1024xf32, #tpu.memory_space<vmem>>
    %dma_start3A_273 = arith.constant 0 : i32
    %dma_start3A_274 = tpu.memref_slice %arg4[%add3A_267, %dma_start3A_273] : memref<16384x1024xf32, #tpu.memory_space<hbm>> -> memref<32x1024xf32, #tpu.memory_space<hbm>>
    %dma_start3A_275 = arith.constant 0 : i32
    %dma_start3A_276 = tpu.memref_slice %arg4[%add3A_267, %dma_start3A_275] : memref<16384x1024xf32, #tpu.memory_space<hbm>> -> memref<32x1024xf32, #tpu.memory_space<hbm>>
    %dma_start3A_277 = arith.constant 0 : i32
    %dma_start3A_278 = arith.constant 0 : i32
    %dma_start3A_279 = tpu.memref_slice %arg6[%dma_start3A_268, %dma_start3A_277, %dma_start3A_278] : memref<3x32x1024xf32, #tpu.memory_space<vmem>> -> memref<1x32x1024xf32, #tpu.memory_space<vmem>>
    %dma_start3A_280 = tpu.memref_squeeze %dma_start3A_279 : memref<1x32x1024xf32, #tpu.memory_space<vmem>> -> memref<32x1024xf32, #tpu.memory_space<vmem>>
    tpu.enqueue_dma source(%dma_start3A_280 : memref<32x1024xf32, #tpu.memory_space<vmem>>) target(%dma_start3A_276 : memref<32x1024xf32, #tpu.memory_space<hbm>>) target_semaphore(%arg12 : memref<!tpu.dma_semaphore, #tpu.memory_space<semaphore_mem>>)
    %add3A_281 = arith.constant 128 : i32
    %add3A_282 = arith.addi %mul3A_2, %add3A_281 : i32
    %dma_wait3A_283 = arith.constant 1 : i32
    %dma_wait3A_284 = arith.constant 0 : i32
    %dma_wait3A_285 = arith.constant 0 : i32
    %dma_wait3A_286 = tpu.memref_slice %arg6[%dma_wait3A_283, %dma_wait3A_284, %dma_wait3A_285] : memref<3x32x1024xf32, #tpu.memory_space<vmem>> -> memref<1x32x1024xf32, #tpu.memory_space<vmem>>
    %dma_wait3A_287 = tpu.memref_squeeze %dma_wait3A_286 : memref<1x32x1024xf32, #tpu.memory_space<vmem>> -> memref<32x1024xf32, #tpu.memory_space<vmem>>
    %dma_wait3A_288 = arith.constant 0 : i32
    %dma_wait3A_289 = tpu.memref_slice %arg4[%add3A_282, %dma_wait3A_288] : memref<16384x1024xf32, #tpu.memory_space<hbm>> -> memref<32x1024xf32, #tpu.memory_space<hbm>>
    %dma_wait3A_290 = arith.constant 0 : i32
    %dma_wait3A_291 = tpu.memref_slice %arg4[%add3A_282, %dma_wait3A_290] : memref<16384x1024xf32, #tpu.memory_space<hbm>> -> memref<32x1024xf32, #tpu.memory_space<hbm>>
    %dma_wait3A_292 = arith.constant 0 : i32
    %dma_wait3A_293 = arith.constant 0 : i32
    %dma_wait3A_294 = tpu.memref_slice %arg6[%dma_wait3A_283, %dma_wait3A_292, %dma_wait3A_293] : memref<3x32x1024xf32, #tpu.memory_space<vmem>> -> memref<1x32x1024xf32, #tpu.memory_space<vmem>>
    %dma_wait3A_295 = tpu.memref_squeeze %dma_wait3A_294 : memref<1x32x1024xf32, #tpu.memory_space<vmem>> -> memref<32x1024xf32, #tpu.memory_space<vmem>>
    tpu.wait_dma2 semaphore(%arg11 : memref<!tpu.dma_semaphore, #tpu.memory_space<semaphore_mem>>) src(%dma_wait3A_295 : memref<32x1024xf32, #tpu.memory_space<vmem>>) dst(%dma_wait3A_291 : memref<32x1024xf32, #tpu.memory_space<hbm>>)
    %dma_start3A_296 = arith.constant 1 : i32
    %dma_start3A_297 = arith.constant 0 : i32
    %dma_start3A_298 = arith.constant 0 : i32
    %dma_start3A_299 = tpu.memref_slice %arg6[%dma_start3A_296, %dma_start3A_297, %dma_start3A_298] : memref<3x32x1024xf32, #tpu.memory_space<vmem>> -> memref<1x32x1024xf32, #tpu.memory_space<vmem>>
    %dma_start3A_300 = tpu.memref_squeeze %dma_start3A_299 : memref<1x32x1024xf32, #tpu.memory_space<vmem>> -> memref<32x1024xf32, #tpu.memory_space<vmem>>
    %dma_start3A_301 = arith.constant 224 : i32
    %dma_start3A_302 = tpu.memref_slice %arg5[%dma_start3A_301] : memref<512xi32, #tpu.memory_space<vmem>> -> memref<32xi32, #tpu.memory_space<vmem>>
    %dma_start3A_303 = arith.constant 0 : i32
    %dma_start3A_304 = arith.constant 0 : i32
    %dma_start3A_305 = tpu.memref_slice %arg2[%dma_start3A_303, %dma_start3A_304] : memref<16384x1024xf32, #tpu.memory_space<hbm>> -> memref<16384x1024xf32, #tpu.memory_space<hbm>>
    tpu.enqueue_indirect_dma source(%dma_start3A_305 : memref<16384x1024xf32, #tpu.memory_space<hbm>>) target(%dma_start3A_300 : memref<32x1024xf32, #tpu.memory_space<vmem>>) offsets(%dma_start3A_302 : memref<32xi32, #tpu.memory_space<vmem>>) semaphore(%arg8 : memref<!tpu.dma_semaphore, #tpu.memory_space<semaphore_mem>>)
    %dma_wait3A_306 = arith.constant 0 : i32
    %dma_wait3A_307 = arith.constant 0 : i32
    %dma_wait3A_308 = arith.constant 0 : i32
    %dma_wait3A_309 = tpu.memref_slice %arg6[%dma_wait3A_306, %dma_wait3A_307, %dma_wait3A_308] : memref<3x32x1024xf32, #tpu.memory_space<vmem>> -> memref<1x32x1024xf32, #tpu.memory_space<vmem>>
    %dma_wait3A_310 = tpu.memref_squeeze %dma_wait3A_309 : memref<1x32x1024xf32, #tpu.memory_space<vmem>> -> memref<32x1024xf32, #tpu.memory_space<vmem>>
    %dma_wait3A_311 = arith.constant 192 : i32
    %dma_wait3A_312 = tpu.memref_slice %arg5[%dma_wait3A_311] : memref<512xi32, #tpu.memory_space<vmem>> -> memref<32xi32, #tpu.memory_space<vmem>>
    %dma_wait3A_313 = arith.constant 0 : i32
    %dma_wait3A_314 = arith.constant 0 : i32
    %dma_wait3A_315 = tpu.memref_slice %arg2[%dma_wait3A_313, %dma_wait3A_314] : memref<16384x1024xf32, #tpu.memory_space<hbm>> -> memref<16384x1024xf32, #tpu.memory_space<hbm>>
    tpu.wait_indirect_dma semaphore(%arg7 : memref<!tpu.dma_semaphore, #tpu.memory_space<semaphore_mem>>) src(%dma_wait3A_315 : memref<16384x1024xf32, #tpu.memory_space<hbm>>) dst(%dma_wait3A_310 : memref<32x1024xf32, #tpu.memory_space<vmem>>)
    %add3A_316 = arith.constant 192 : i32
    %add3A_317 = arith.addi %mul3A_2, %add3A_316 : i32
    %dma_start3A_318 = arith.constant 0 : i32
    %dma_start3A_319 = arith.constant 0 : i32
    %dma_start3A_320 = arith.constant 0 : i32
    %dma_start3A_321 = tpu.memref_slice %arg6[%dma_start3A_318, %dma_start3A_319, %dma_start3A_320] : memref<3x32x1024xf32, #tpu.memory_space<vmem>> -> memref<1x32x1024xf32, #tpu.memory_space<vmem>>
    %dma_start3A_322 = tpu.memref_squeeze %dma_start3A_321 : memref<1x32x1024xf32, #tpu.memory_space<vmem>> -> memref<32x1024xf32, #tpu.memory_space<vmem>>
    %dma_start3A_323 = arith.constant 0 : i32
    %dma_start3A_324 = tpu.memref_slice %arg4[%add3A_317, %dma_start3A_323] : memref<16384x1024xf32, #tpu.memory_space<hbm>> -> memref<32x1024xf32, #tpu.memory_space<hbm>>
    %dma_start3A_325 = arith.constant 0 : i32
    %dma_start3A_326 = tpu.memref_slice %arg4[%add3A_317, %dma_start3A_325] : memref<16384x1024xf32, #tpu.memory_space<hbm>> -> memref<32x1024xf32, #tpu.memory_space<hbm>>
    %dma_start3A_327 = arith.constant 0 : i32
    %dma_start3A_328 = arith.constant 0 : i32
    %dma_start3A_329 = tpu.memref_slice %arg6[%dma_start3A_318, %dma_start3A_327, %dma_start3A_328] : memref<3x32x1024xf32, #tpu.memory_space<vmem>> -> memref<1x32x1024xf32, #tpu.memory_space<vmem>>
    %dma_start3A_330 = tpu.memref_squeeze %dma_start3A_329 : memref<1x32x1024xf32, #tpu.memory_space<vmem>> -> memref<32x1024xf32, #tpu.memory_space<vmem>>
    tpu.enqueue_dma source(%dma_start3A_330 : memref<32x1024xf32, #tpu.memory_space<vmem>>) target(%dma_start3A_326 : memref<32x1024xf32, #tpu.memory_space<hbm>>) target_semaphore(%arg10 : memref<!tpu.dma_semaphore, #tpu.memory_space<semaphore_mem>>)
    %add3A_331 = arith.constant 160 : i32
    %add3A_332 = arith.addi %mul3A_2, %add3A_331 : i32
    %dma_wait3A_333 = arith.constant 2 : i32
    %dma_wait3A_334 = arith.constant 0 : i32
    %dma_wait3A_335 = arith.constant 0 : i32
    %dma_wait3A_336 = tpu.memref_slice %arg6[%dma_wait3A_333, %dma_wait3A_334, %dma_wait3A_335] : memref<3x32x1024xf32, #tpu.memory_space<vmem>> -> memref<1x32x1024xf32, #tpu.memory_space<vmem>>
    %dma_wait3A_337 = tpu.memref_squeeze %dma_wait3A_336 : memref<1x32x1024xf32, #tpu.memory_space<vmem>> -> memref<32x1024xf32, #tpu.memory_space<vmem>>
    %dma_wait3A_338 = arith.constant 0 : i32
    %dma_wait3A_339 = tpu.memref_slice %arg4[%add3A_332, %dma_wait3A_338] : memref<16384x1024xf32, #tpu.memory_space<hbm>> -> memref<32x1024xf32, #tpu.memory_space<hbm>>
    %dma_wait3A_340 = arith.constant 0 : i32
    %dma_wait3A_341 = tpu.memref_slice %arg4[%add3A_332, %dma_wait3A_340] : memref<16384x1024xf32, #tpu.memory_space<hbm>> -> memref<32x1024xf32, #tpu.memory_space<hbm>>
    %dma_wait3A_342 = arith.constant 0 : i32
    %dma_wait3A_343 = arith.constant 0 : i32
    %dma_wait3A_344 = tpu.memref_slice %arg6[%dma_wait3A_333, %dma_wait3A_342, %dma_wait3A_343] : memref<3x32x1024xf32, #tpu.memory_space<vmem>> -> memref<1x32x1024xf32, #tpu.memory_space<vmem>>
    %dma_wait3A_345 = tpu.memref_squeeze %dma_wait3A_344 : memref<1x32x1024xf32, #tpu.memory_space<vmem>> -> memref<32x1024xf32, #tpu.memory_space<vmem>>
    tpu.wait_dma2 semaphore(%arg12 : memref<!tpu.dma_semaphore, #tpu.memory_space<semaphore_mem>>) src(%dma_wait3A_345 : memref<32x1024xf32, #tpu.memory_space<vmem>>) dst(%dma_wait3A_341 : memref<32x1024xf32, #tpu.memory_space<hbm>>)
    %dma_start3A_346 = arith.constant 2 : i32
    %dma_start3A_347 = arith.constant 0 : i32
    %dma_start3A_348 = arith.constant 0 : i32
    %dma_start3A_349 = tpu.memref_slice %arg6[%dma_start3A_346, %dma_start3A_347, %dma_start3A_348] : memref<3x32x1024xf32, #tpu.memory_space<vmem>> -> memref<1x32x1024xf32, #tpu.memory_space<vmem>>
    %dma_start3A_350 = tpu.memref_squeeze %dma_start3A_349 : memref<1x32x1024xf32, #tpu.memory_space<vmem>> -> memref<32x1024xf32, #tpu.memory_space<vmem>>
    %dma_start3A_351 = arith.constant 256 : i32
    %dma_start3A_352 = tpu.memref_slice %arg5[%dma_start3A_351] : memref<512xi32, #tpu.memory_space<vmem>> -> memref<32xi32, #tpu.memory_space<vmem>>
    %dma_start3A_353 = arith.constant 0 : i32
    %dma_start3A_354 = arith.constant 0 : i32
    %dma_start3A_355 = tpu.memref_slice %arg2[%dma_start3A_353, %dma_start3A_354] : memref<16384x1024xf32, #tpu.memory_space<hbm>> -> memref<16384x1024xf32, #tpu.memory_space<hbm>>
    tpu.enqueue_indirect_dma source(%dma_start3A_355 : memref<16384x1024xf32, #tpu.memory_space<hbm>>) target(%dma_start3A_350 : memref<32x1024xf32, #tpu.memory_space<vmem>>) offsets(%dma_start3A_352 : memref<32xi32, #tpu.memory_space<vmem>>) semaphore(%arg9 : memref<!tpu.dma_semaphore, #tpu.memory_space<semaphore_mem>>)
    %dma_wait3A_356 = arith.constant 1 : i32
    %dma_wait3A_357 = arith.constant 0 : i32
    %dma_wait3A_358 = arith.constant 0 : i32
    %dma_wait3A_359 = tpu.memref_slice %arg6[%dma_wait3A_356, %dma_wait3A_357, %dma_wait3A_358] : memref<3x32x1024xf32, #tpu.memory_space<vmem>> -> memref<1x32x1024xf32, #tpu.memory_space<vmem>>
    %dma_wait3A_360 = tpu.memref_squeeze %dma_wait3A_359 : memref<1x32x1024xf32, #tpu.memory_space<vmem>> -> memref<32x1024xf32, #tpu.memory_space<vmem>>
    %dma_wait3A_361 = arith.constant 224 : i32
    %dma_wait3A_362 = tpu.memref_slice %arg5[%dma_wait3A_361] : memref<512xi32, #tpu.memory_space<vmem>> -> memref<32xi32, #tpu.memory_space<vmem>>
    %dma_wait3A_363 = arith.constant 0 : i32
    %dma_wait3A_364 = arith.constant 0 : i32
    %dma_wait3A_365 = tpu.memref_slice %arg2[%dma_wait3A_363, %dma_wait3A_364] : memref<16384x1024xf32, #tpu.memory_space<hbm>> -> memref<16384x1024xf32, #tpu.memory_space<hbm>>
    tpu.wait_indirect_dma semaphore(%arg8 : memref<!tpu.dma_semaphore, #tpu.memory_space<semaphore_mem>>) src(%dma_wait3A_365 : memref<16384x1024xf32, #tpu.memory_space<hbm>>) dst(%dma_wait3A_360 : memref<32x1024xf32, #tpu.memory_space<vmem>>)
    %add3A_366 = arith.constant 224 : i32
    %add3A_367 = arith.addi %mul3A_2, %add3A_366 : i32
    %dma_start3A_368 = arith.constant 1 : i32
    %dma_start3A_369 = arith.constant 0 : i32
    %dma_start3A_370 = arith.constant 0 : i32
    %dma_start3A_371 = tpu.memref_slice %arg6[%dma_start3A_368, %dma_start3A_369, %dma_start3A_370] : memref<3x32x1024xf32, #tpu.memory_space<vmem>> -> memref<1x32x1024xf32, #tpu.memory_space<vmem>>
    %dma_start3A_372 = tpu.memref_squeeze %dma_start3A_371 : memref<1x32x1024xf32, #tpu.memory_space<vmem>> -> memref<32x1024xf32, #tpu.memory_space<vmem>>
    %dma_start3A_373 = arith.constant 0 : i32
    %dma_start3A_374 = tpu.memref_slice %arg4[%add3A_367, %dma_start3A_373] : memref<16384x1024xf32, #tpu.memory_space<hbm>> -> memref<32x1024xf32, #tpu.memory_space<hbm>>
    %dma_start3A_375 = arith.constant 0 : i32
    %dma_start3A_376 = tpu.memref_slice %arg4[%add3A_367, %dma_start3A_375] : memref<16384x1024xf32, #tpu.memory_space<hbm>> -> memref<32x1024xf32, #tpu.memory_space<hbm>>
    %dma_start3A_377 = arith.constant 0 : i32
    %dma_start3A_378 = arith.constant 0 : i32
    %dma_start3A_379 = tpu.memref_slice %arg6[%dma_start3A_368, %dma_start3A_377, %dma_start3A_378] : memref<3x32x1024xf32, #tpu.memory_space<vmem>> -> memref<1x32x1024xf32, #tpu.memory_space<vmem>>
    %dma_start3A_380 = tpu.memref_squeeze %dma_start3A_379 : memref<1x32x1024xf32, #tpu.memory_space<vmem>> -> memref<32x1024xf32, #tpu.memory_space<vmem>>
    tpu.enqueue_dma source(%dma_start3A_380 : memref<32x1024xf32, #tpu.memory_space<vmem>>) target(%dma_start3A_376 : memref<32x1024xf32, #tpu.memory_space<hbm>>) target_semaphore(%arg11 : memref<!tpu.dma_semaphore, #tpu.memory_space<semaphore_mem>>)
    %add3A_381 = arith.constant 192 : i32
    %add3A_382 = arith.addi %mul3A_2, %add3A_381 : i32
    %dma_wait3A_383 = arith.constant 0 : i32
    %dma_wait3A_384 = arith.constant 0 : i32
    %dma_wait3A_385 = arith.constant 0 : i32
    %dma_wait3A_386 = tpu.memref_slice %arg6[%dma_wait3A_383, %dma_wait3A_384, %dma_wait3A_385] : memref<3x32x1024xf32, #tpu.memory_space<vmem>> -> memref<1x32x1024xf32, #tpu.memory_space<vmem>>
    %dma_wait3A_387 = tpu.memref_squeeze %dma_wait3A_386 : memref<1x32x1024xf32, #tpu.memory_space<vmem>> -> memref<32x1024xf32, #tpu.memory_space<vmem>>
    %dma_wait3A_388 = arith.constant 0 : i32
    %dma_wait3A_389 = tpu.memref_slice %arg4[%add3A_382, %dma_wait3A_388] : memref<16384x1024xf32, #tpu.memory_space<hbm>> -> memref<32x1024xf32, #tpu.memory_space<hbm>>
    %dma_wait3A_390 = arith.constant 0 : i32
    %dma_wait3A_391 = tpu.memref_slice %arg4[%add3A_382, %dma_wait3A_390] : memref<16384x1024xf32, #tpu.memory_space<hbm>> -> memref<32x1024xf32, #tpu.memory_space<hbm>>
    %dma_wait3A_392 = arith.constant 0 : i32
    %dma_wait3A_393 = arith.constant 0 : i32
    %dma_wait3A_394 = tpu.memref_slice %arg6[%dma_wait3A_383, %dma_wait3A_392, %dma_wait3A_393] : memref<3x32x1024xf32, #tpu.memory_space<vmem>> -> memref<1x32x1024xf32, #tpu.memory_space<vmem>>
    %dma_wait3A_395 = tpu.memref_squeeze %dma_wait3A_394 : memref<1x32x1024xf32, #tpu.memory_space<vmem>> -> memref<32x1024xf32, #tpu.memory_space<vmem>>
    tpu.wait_dma2 semaphore(%arg10 : memref<!tpu.dma_semaphore, #tpu.memory_space<semaphore_mem>>) src(%dma_wait3A_395 : memref<32x1024xf32, #tpu.memory_space<vmem>>) dst(%dma_wait3A_391 : memref<32x1024xf32, #tpu.memory_space<hbm>>)
    %dma_start3A_396 = arith.constant 0 : i32
    %dma_start3A_397 = arith.constant 0 : i32
    %dma_start3A_398 = arith.constant 0 : i32
    %dma_start3A_399 = tpu.memref_slice %arg6[%dma_start3A_396, %dma_start3A_397, %dma_start3A_398] : memref<3x32x1024xf32, #tpu.memory_space<vmem>> -> memref<1x32x1024xf32, #tpu.memory_space<vmem>>
    %dma_start3A_400 = tpu.memref_squeeze %dma_start3A_399 : memref<1x32x1024xf32, #tpu.memory_space<vmem>> -> memref<32x1024xf32, #tpu.memory_space<vmem>>
    %dma_start3A_401 = arith.constant 288 : i32
    %dma_start3A_402 = tpu.memref_slice %arg5[%dma_start3A_401] : memref<512xi32, #tpu.memory_space<vmem>> -> memref<32xi32, #tpu.memory_space<vmem>>
    %dma_start3A_403 = arith.constant 0 : i32
    %dma_start3A_404 = arith.constant 0 : i32
    %dma_start3A_405 = tpu.memref_slice %arg2[%dma_start3A_403, %dma_start3A_404] : memref<16384x1024xf32, #tpu.memory_space<hbm>> -> memref<16384x1024xf32, #tpu.memory_space<hbm>>
    tpu.enqueue_indirect_dma source(%dma_start3A_405 : memref<16384x1024xf32, #tpu.memory_space<hbm>>) target(%dma_start3A_400 : memref<32x1024xf32, #tpu.memory_space<vmem>>) offsets(%dma_start3A_402 : memref<32xi32, #tpu.memory_space<vmem>>) semaphore(%arg7 : memref<!tpu.dma_semaphore, #tpu.memory_space<semaphore_mem>>)
    %dma_wait3A_406 = arith.constant 2 : i32
    %dma_wait3A_407 = arith.constant 0 : i32
    %dma_wait3A_408 = arith.constant 0 : i32
    %dma_wait3A_409 = tpu.memref_slice %arg6[%dma_wait3A_406, %dma_wait3A_407, %dma_wait3A_408] : memref<3x32x1024xf32, #tpu.memory_space<vmem>> -> memref<1x32x1024xf32, #tpu.memory_space<vmem>>
    %dma_wait3A_410 = tpu.memref_squeeze %dma_wait3A_409 : memref<1x32x1024xf32, #tpu.memory_space<vmem>> -> memref<32x1024xf32, #tpu.memory_space<vmem>>
    %dma_wait3A_411 = arith.constant 256 : i32
    %dma_wait3A_412 = tpu.memref_slice %arg5[%dma_wait3A_411] : memref<512xi32, #tpu.memory_space<vmem>> -> memref<32xi32, #tpu.memory_space<vmem>>
    %dma_wait3A_413 = arith.constant 0 : i32
    %dma_wait3A_414 = arith.constant 0 : i32
    %dma_wait3A_415 = tpu.memref_slice %arg2[%dma_wait3A_413, %dma_wait3A_414] : memref<16384x1024xf32, #tpu.memory_space<hbm>> -> memref<16384x1024xf32, #tpu.memory_space<hbm>>
    tpu.wait_indirect_dma semaphore(%arg9 : memref<!tpu.dma_semaphore, #tpu.memory_space<semaphore_mem>>) src(%dma_wait3A_415 : memref<16384x1024xf32, #tpu.memory_space<hbm>>) dst(%dma_wait3A_410 : memref<32x1024xf32, #tpu.memory_space<vmem>>)
    %add3A_416 = arith.constant 256 : i32
    %add3A_417 = arith.addi %mul3A_2, %add3A_416 : i32
    %dma_start3A_418 = arith.constant 2 : i32
    %dma_start3A_419 = arith.constant 0 : i32
    %dma_start3A_420 = arith.constant 0 : i32
    %dma_start3A_421 = tpu.memref_slice %arg6[%dma_start3A_418, %dma_start3A_419, %dma_start3A_420] : memref<3x32x1024xf32, #tpu.memory_space<vmem>> -> memref<1x32x1024xf32, #tpu.memory_space<vmem>>
    %dma_start3A_422 = tpu.memref_squeeze %dma_start3A_421 : memref<1x32x1024xf32, #tpu.memory_space<vmem>> -> memref<32x1024xf32, #tpu.memory_space<vmem>>
    %dma_start3A_423 = arith.constant 0 : i32
    %dma_start3A_424 = tpu.memref_slice %arg4[%add3A_417, %dma_start3A_423] : memref<16384x1024xf32, #tpu.memory_space<hbm>> -> memref<32x1024xf32, #tpu.memory_space<hbm>>
    %dma_start3A_425 = arith.constant 0 : i32
    %dma_start3A_426 = tpu.memref_slice %arg4[%add3A_417, %dma_start3A_425] : memref<16384x1024xf32, #tpu.memory_space<hbm>> -> memref<32x1024xf32, #tpu.memory_space<hbm>>
    %dma_start3A_427 = arith.constant 0 : i32
    %dma_start3A_428 = arith.constant 0 : i32
    %dma_start3A_429 = tpu.memref_slice %arg6[%dma_start3A_418, %dma_start3A_427, %dma_start3A_428] : memref<3x32x1024xf32, #tpu.memory_space<vmem>> -> memref<1x32x1024xf32, #tpu.memory_space<vmem>>
    %dma_start3A_430 = tpu.memref_squeeze %dma_start3A_429 : memref<1x32x1024xf32, #tpu.memory_space<vmem>> -> memref<32x1024xf32, #tpu.memory_space<vmem>>
    tpu.enqueue_dma source(%dma_start3A_430 : memref<32x1024xf32, #tpu.memory_space<vmem>>) target(%dma_start3A_426 : memref<32x1024xf32, #tpu.memory_space<hbm>>) target_semaphore(%arg12 : memref<!tpu.dma_semaphore, #tpu.memory_space<semaphore_mem>>)
    %add3A_431 = arith.constant 224 : i32
    %add3A_432 = arith.addi %mul3A_2, %add3A_431 : i32
    %dma_wait3A_433 = arith.constant 1 : i32
    %dma_wait3A_434 = arith.constant 0 : i32
    %dma_wait3A_435 = arith.constant 0 : i32
    %dma_wait3A_436 = tpu.memref_slice %arg6[%dma_wait3A_433, %dma_wait3A_434, %dma_wait3A_435] : memref<3x32x1024xf32, #tpu.memory_space<vmem>> -> memref<1x32x1024xf32, #tpu.memory_space<vmem>>
    %dma_wait3A_437 = tpu.memref_squeeze %dma_wait3A_436 : memref<1x32x1024xf32, #tpu.memory_space<vmem>> -> memref<32x1024xf32, #tpu.memory_space<vmem>>
    %dma_wait3A_438 = arith.constant 0 : i32
    %dma_wait3A_439 = tpu.memref_slice %arg4[%add3A_432, %dma_wait3A_438] : memref<16384x1024xf32, #tpu.memory_space<hbm>> -> memref<32x1024xf32, #tpu.memory_space<hbm>>
    %dma_wait3A_440 = arith.constant 0 : i32
    %dma_wait3A_441 = tpu.memref_slice %arg4[%add3A_432, %dma_wait3A_440] : memref<16384x1024xf32, #tpu.memory_space<hbm>> -> memref<32x1024xf32, #tpu.memory_space<hbm>>
    %dma_wait3A_442 = arith.constant 0 : i32
    %dma_wait3A_443 = arith.constant 0 : i32
    %dma_wait3A_444 = tpu.memref_slice %arg6[%dma_wait3A_433, %dma_wait3A_442, %dma_wait3A_443] : memref<3x32x1024xf32, #tpu.memory_space<vmem>> -> memref<1x32x1024xf32, #tpu.memory_space<vmem>>
    %dma_wait3A_445 = tpu.memref_squeeze %dma_wait3A_444 : memref<1x32x1024xf32, #tpu.memory_space<vmem>> -> memref<32x1024xf32, #tpu.memory_space<vmem>>
    tpu.wait_dma2 semaphore(%arg11 : memref<!tpu.dma_semaphore, #tpu.memory_space<semaphore_mem>>) src(%dma_wait3A_445 : memref<32x1024xf32, #tpu.memory_space<vmem>>) dst(%dma_wait3A_441 : memref<32x1024xf32, #tpu.memory_space<hbm>>)
    %dma_start3A_446 = arith.constant 1 : i32
    %dma_start3A_447 = arith.constant 0 : i32
    %dma_start3A_448 = arith.constant 0 : i32
    %dma_start3A_449 = tpu.memref_slice %arg6[%dma_start3A_446, %dma_start3A_447, %dma_start3A_448] : memref<3x32x1024xf32, #tpu.memory_space<vmem>> -> memref<1x32x1024xf32, #tpu.memory_space<vmem>>
    %dma_start3A_450 = tpu.memref_squeeze %dma_start3A_449 : memref<1x32x1024xf32, #tpu.memory_space<vmem>> -> memref<32x1024xf32, #tpu.memory_space<vmem>>
    %dma_start3A_451 = arith.constant 320 : i32
    %dma_start3A_452 = tpu.memref_slice %arg5[%dma_start3A_451] : memref<512xi32, #tpu.memory_space<vmem>> -> memref<32xi32, #tpu.memory_space<vmem>>
    %dma_start3A_453 = arith.constant 0 : i32
    %dma_start3A_454 = arith.constant 0 : i32
    %dma_start3A_455 = tpu.memref_slice %arg2[%dma_start3A_453, %dma_start3A_454] : memref<16384x1024xf32, #tpu.memory_space<hbm>> -> memref<16384x1024xf32, #tpu.memory_space<hbm>>
    tpu.enqueue_indirect_dma source(%dma_start3A_455 : memref<16384x1024xf32, #tpu.memory_space<hbm>>) target(%dma_start3A_450 : memref<32x1024xf32, #tpu.memory_space<vmem>>) offsets(%dma_start3A_452 : memref<32xi32, #tpu.memory_space<vmem>>) semaphore(%arg8 : memref<!tpu.dma_semaphore, #tpu.memory_space<semaphore_mem>>)
    %dma_wait3A_456 = arith.constant 0 : i32
    %dma_wait3A_457 = arith.constant 0 : i32
    %dma_wait3A_458 = arith.constant 0 : i32
    %dma_wait3A_459 = tpu.memref_slice %arg6[%dma_wait3A_456, %dma_wait3A_457, %dma_wait3A_458] : memref<3x32x1024xf32, #tpu.memory_space<vmem>> -> memref<1x32x1024xf32, #tpu.memory_space<vmem>>
    %dma_wait3A_460 = tpu.memref_squeeze %dma_wait3A_459 : memref<1x32x1024xf32, #tpu.memory_space<vmem>> -> memref<32x1024xf32, #tpu.memory_space<vmem>>
    %dma_wait3A_461 = arith.constant 288 : i32
    %dma_wait3A_462 = tpu.memref_slice %arg5[%dma_wait3A_461] : memref<512xi32, #tpu.memory_space<vmem>> -> memref<32xi32, #tpu.memory_space<vmem>>
    %dma_wait3A_463 = arith.constant 0 : i32
    %dma_wait3A_464 = arith.constant 0 : i32
    %dma_wait3A_465 = tpu.memref_slice %arg2[%dma_wait3A_463, %dma_wait3A_464] : memref<16384x1024xf32, #tpu.memory_space<hbm>> -> memref<16384x1024xf32, #tpu.memory_space<hbm>>
    tpu.wait_indirect_dma semaphore(%arg7 : memref<!tpu.dma_semaphore, #tpu.memory_space<semaphore_mem>>) src(%dma_wait3A_465 : memref<16384x1024xf32, #tpu.memory_space<hbm>>) dst(%dma_wait3A_460 : memref<32x1024xf32, #tpu.memory_space<vmem>>)
    %add3A_466 = arith.constant 288 : i32
    %add3A_467 = arith.addi %mul3A_2, %add3A_466 : i32
    %dma_start3A_468 = arith.constant 0 : i32
    %dma_start3A_469 = arith.constant 0 : i32
    %dma_start3A_470 = arith.constant 0 : i32
    %dma_start3A_471 = tpu.memref_slice %arg6[%dma_start3A_468, %dma_start3A_469, %dma_start3A_470] : memref<3x32x1024xf32, #tpu.memory_space<vmem>> -> memref<1x32x1024xf32, #tpu.memory_space<vmem>>
    %dma_start3A_472 = tpu.memref_squeeze %dma_start3A_471 : memref<1x32x1024xf32, #tpu.memory_space<vmem>> -> memref<32x1024xf32, #tpu.memory_space<vmem>>
    %dma_start3A_473 = arith.constant 0 : i32
    %dma_start3A_474 = tpu.memref_slice %arg4[%add3A_467, %dma_start3A_473] : memref<16384x1024xf32, #tpu.memory_space<hbm>> -> memref<32x1024xf32, #tpu.memory_space<hbm>>
    %dma_start3A_475 = arith.constant 0 : i32
    %dma_start3A_476 = tpu.memref_slice %arg4[%add3A_467, %dma_start3A_475] : memref<16384x1024xf32, #tpu.memory_space<hbm>> -> memref<32x1024xf32, #tpu.memory_space<hbm>>
    %dma_start3A_477 = arith.constant 0 : i32
    %dma_start3A_478 = arith.constant 0 : i32
    %dma_start3A_479 = tpu.memref_slice %arg6[%dma_start3A_468, %dma_start3A_477, %dma_start3A_478] : memref<3x32x1024xf32, #tpu.memory_space<vmem>> -> memref<1x32x1024xf32, #tpu.memory_space<vmem>>
    %dma_start3A_480 = tpu.memref_squeeze %dma_start3A_479 : memref<1x32x1024xf32, #tpu.memory_space<vmem>> -> memref<32x1024xf32, #tpu.memory_space<vmem>>
    tpu.enqueue_dma source(%dma_start3A_480 : memref<32x1024xf32, #tpu.memory_space<vmem>>) target(%dma_start3A_476 : memref<32x1024xf32, #tpu.memory_space<hbm>>) target_semaphore(%arg10 : memref<!tpu.dma_semaphore, #tpu.memory_space<semaphore_mem>>)
    %add3A_481 = arith.constant 256 : i32
    %add3A_482 = arith.addi %mul3A_2, %add3A_481 : i32
    %dma_wait3A_483 = arith.constant 2 : i32
    %dma_wait3A_484 = arith.constant 0 : i32
    %dma_wait3A_485 = arith.constant 0 : i32
    %dma_wait3A_486 = tpu.memref_slice %arg6[%dma_wait3A_483, %dma_wait3A_484, %dma_wait3A_485] : memref<3x32x1024xf32, #tpu.memory_space<vmem>> -> memref<1x32x1024xf32, #tpu.memory_space<vmem>>
    %dma_wait3A_487 = tpu.memref_squeeze %dma_wait3A_486 : memref<1x32x1024xf32, #tpu.memory_space<vmem>> -> memref<32x1024xf32, #tpu.memory_space<vmem>>
    %dma_wait3A_488 = arith.constant 0 : i32
    %dma_wait3A_489 = tpu.memref_slice %arg4[%add3A_482, %dma_wait3A_488] : memref<16384x1024xf32, #tpu.memory_space<hbm>> -> memref<32x1024xf32, #tpu.memory_space<hbm>>
    %dma_wait3A_490 = arith.constant 0 : i32
    %dma_wait3A_491 = tpu.memref_slice %arg4[%add3A_482, %dma_wait3A_490] : memref<16384x1024xf32, #tpu.memory_space<hbm>> -> memref<32x1024xf32, #tpu.memory_space<hbm>>
    %dma_wait3A_492 = arith.constant 0 : i32
    %dma_wait3A_493 = arith.constant 0 : i32
    %dma_wait3A_494 = tpu.memref_slice %arg6[%dma_wait3A_483, %dma_wait3A_492, %dma_wait3A_493] : memref<3x32x1024xf32, #tpu.memory_space<vmem>> -> memref<1x32x1024xf32, #tpu.memory_space<vmem>>
    %dma_wait3A_495 = tpu.memref_squeeze %dma_wait3A_494 : memref<1x32x1024xf32, #tpu.memory_space<vmem>> -> memref<32x1024xf32, #tpu.memory_space<vmem>>
    tpu.wait_dma2 semaphore(%arg12 : memref<!tpu.dma_semaphore, #tpu.memory_space<semaphore_mem>>) src(%dma_wait3A_495 : memref<32x1024xf32, #tpu.memory_space<vmem>>) dst(%dma_wait3A_491 : memref<32x1024xf32, #tpu.memory_space<hbm>>)
    %dma_start3A_496 = arith.constant 2 : i32
    %dma_start3A_497 = arith.constant 0 : i32
    %dma_start3A_498 = arith.constant 0 : i32
    %dma_start3A_499 = tpu.memref_slice %arg6[%dma_start3A_496, %dma_start3A_497, %dma_start3A_498] : memref<3x32x1024xf32, #tpu.memory_space<vmem>> -> memref<1x32x1024xf32, #tpu.memory_space<vmem>>
    %dma_start3A_500 = tpu.memref_squeeze %dma_start3A_499 : memref<1x32x1024xf32, #tpu.memory_space<vmem>> -> memref<32x1024xf32, #tpu.memory_space<vmem>>
    %dma_start3A_501 = arith.constant 352 : i32
    %dma_start3A_502 = tpu.memref_slice %arg5[%dma_start3A_501] : memref<512xi32, #tpu.memory_space<vmem>> -> memref<32xi32, #tpu.memory_space<vmem>>
    %dma_start3A_503 = arith.constant 0 : i32
    %dma_start3A_504 = arith.constant 0 : i32
    %dma_start3A_505 = tpu.memref_slice %arg2[%dma_start3A_503, %dma_start3A_504] : memref<16384x1024xf32, #tpu.memory_space<hbm>> -> memref<16384x1024xf32, #tpu.memory_space<hbm>>
    tpu.enqueue_indirect_dma source(%dma_start3A_505 : memref<16384x1024xf32, #tpu.memory_space<hbm>>) target(%dma_start3A_500 : memref<32x1024xf32, #tpu.memory_space<vmem>>) offsets(%dma_start3A_502 : memref<32xi32, #tpu.memory_space<vmem>>) semaphore(%arg9 : memref<!tpu.dma_semaphore, #tpu.memory_space<semaphore_mem>>)
    %dma_wait3A_506 = arith.constant 1 : i32
    %dma_wait3A_507 = arith.constant 0 : i32
    %dma_wait3A_508 = arith.constant 0 : i32
    %dma_wait3A_509 = tpu.memref_slice %arg6[%dma_wait3A_506, %dma_wait3A_507, %dma_wait3A_508] : memref<3x32x1024xf32, #tpu.memory_space<vmem>> -> memref<1x32x1024xf32, #tpu.memory_space<vmem>>
    %dma_wait3A_510 = tpu.memref_squeeze %dma_wait3A_509 : memref<1x32x1024xf32, #tpu.memory_space<vmem>> -> memref<32x1024xf32, #tpu.memory_space<vmem>>
    %dma_wait3A_511 = arith.constant 320 : i32
    %dma_wait3A_512 = tpu.memref_slice %arg5[%dma_wait3A_511] : memref<512xi32, #tpu.memory_space<vmem>> -> memref<32xi32, #tpu.memory_space<vmem>>
    %dma_wait3A_513 = arith.constant 0 : i32
    %dma_wait3A_514 = arith.constant 0 : i32
    %dma_wait3A_515 = tpu.memref_slice %arg2[%dma_wait3A_513, %dma_wait3A_514] : memref<16384x1024xf32, #tpu.memory_space<hbm>> -> memref<16384x1024xf32, #tpu.memory_space<hbm>>
    tpu.wait_indirect_dma semaphore(%arg8 : memref<!tpu.dma_semaphore, #tpu.memory_space<semaphore_mem>>) src(%dma_wait3A_515 : memref<16384x1024xf32, #tpu.memory_space<hbm>>) dst(%dma_wait3A_510 : memref<32x1024xf32, #tpu.memory_space<vmem>>)
    %add3A_516 = arith.constant 320 : i32
    %add3A_517 = arith.addi %mul3A_2, %add3A_516 : i32
    %dma_start3A_518 = arith.constant 1 : i32
    %dma_start3A_519 = arith.constant 0 : i32
    %dma_start3A_520 = arith.constant 0 : i32
    %dma_start3A_521 = tpu.memref_slice %arg6[%dma_start3A_518, %dma_start3A_519, %dma_start3A_520] : memref<3x32x1024xf32, #tpu.memory_space<vmem>> -> memref<1x32x1024xf32, #tpu.memory_space<vmem>>
    %dma_start3A_522 = tpu.memref_squeeze %dma_start3A_521 : memref<1x32x1024xf32, #tpu.memory_space<vmem>> -> memref<32x1024xf32, #tpu.memory_space<vmem>>
    %dma_start3A_523 = arith.constant 0 : i32
    %dma_start3A_524 = tpu.memref_slice %arg4[%add3A_517, %dma_start3A_523] : memref<16384x1024xf32, #tpu.memory_space<hbm>> -> memref<32x1024xf32, #tpu.memory_space<hbm>>
    %dma_start3A_525 = arith.constant 0 : i32
    %dma_start3A_526 = tpu.memref_slice %arg4[%add3A_517, %dma_start3A_525] : memref<16384x1024xf32, #tpu.memory_space<hbm>> -> memref<32x1024xf32, #tpu.memory_space<hbm>>
    %dma_start3A_527 = arith.constant 0 : i32
    %dma_start3A_528 = arith.constant 0 : i32
    %dma_start3A_529 = tpu.memref_slice %arg6[%dma_start3A_518, %dma_start3A_527, %dma_start3A_528] : memref<3x32x1024xf32, #tpu.memory_space<vmem>> -> memref<1x32x1024xf32, #tpu.memory_space<vmem>>
    %dma_start3A_530 = tpu.memref_squeeze %dma_start3A_529 : memref<1x32x1024xf32, #tpu.memory_space<vmem>> -> memref<32x1024xf32, #tpu.memory_space<vmem>>
    tpu.enqueue_dma source(%dma_start3A_530 : memref<32x1024xf32, #tpu.memory_space<vmem>>) target(%dma_start3A_526 : memref<32x1024xf32, #tpu.memory_space<hbm>>) target_semaphore(%arg11 : memref<!tpu.dma_semaphore, #tpu.memory_space<semaphore_mem>>)
    %add3A_531 = arith.constant 288 : i32
    %add3A_532 = arith.addi %mul3A_2, %add3A_531 : i32
    %dma_wait3A_533 = arith.constant 0 : i32
    %dma_wait3A_534 = arith.constant 0 : i32
    %dma_wait3A_535 = arith.constant 0 : i32
    %dma_wait3A_536 = tpu.memref_slice %arg6[%dma_wait3A_533, %dma_wait3A_534, %dma_wait3A_535] : memref<3x32x1024xf32, #tpu.memory_space<vmem>> -> memref<1x32x1024xf32, #tpu.memory_space<vmem>>
    %dma_wait3A_537 = tpu.memref_squeeze %dma_wait3A_536 : memref<1x32x1024xf32, #tpu.memory_space<vmem>> -> memref<32x1024xf32, #tpu.memory_space<vmem>>
    %dma_wait3A_538 = arith.constant 0 : i32
    %dma_wait3A_539 = tpu.memref_slice %arg4[%add3A_532, %dma_wait3A_538] : memref<16384x1024xf32, #tpu.memory_space<hbm>> -> memref<32x1024xf32, #tpu.memory_space<hbm>>
    %dma_wait3A_540 = arith.constant 0 : i32
    %dma_wait3A_541 = tpu.memref_slice %arg4[%add3A_532, %dma_wait3A_540] : memref<16384x1024xf32, #tpu.memory_space<hbm>> -> memref<32x1024xf32, #tpu.memory_space<hbm>>
    %dma_wait3A_542 = arith.constant 0 : i32
    %dma_wait3A_543 = arith.constant 0 : i32
    %dma_wait3A_544 = tpu.memref_slice %arg6[%dma_wait3A_533, %dma_wait3A_542, %dma_wait3A_543] : memref<3x32x1024xf32, #tpu.memory_space<vmem>> -> memref<1x32x1024xf32, #tpu.memory_space<vmem>>
    %dma_wait3A_545 = tpu.memref_squeeze %dma_wait3A_544 : memref<1x32x1024xf32, #tpu.memory_space<vmem>> -> memref<32x1024xf32, #tpu.memory_space<vmem>>
    tpu.wait_dma2 semaphore(%arg10 : memref<!tpu.dma_semaphore, #tpu.memory_space<semaphore_mem>>) src(%dma_wait3A_545 : memref<32x1024xf32, #tpu.memory_space<vmem>>) dst(%dma_wait3A_541 : memref<32x1024xf32, #tpu.memory_space<hbm>>)
    %dma_start3A_546 = arith.constant 0 : i32
    %dma_start3A_547 = arith.constant 0 : i32
    %dma_start3A_548 = arith.constant 0 : i32
    %dma_start3A_549 = tpu.memref_slice %arg6[%dma_start3A_546, %dma_start3A_547, %dma_start3A_548] : memref<3x32x1024xf32, #tpu.memory_space<vmem>> -> memref<1x32x1024xf32, #tpu.memory_space<vmem>>
    %dma_start3A_550 = tpu.memref_squeeze %dma_start3A_549 : memref<1x32x1024xf32, #tpu.memory_space<vmem>> -> memref<32x1024xf32, #tpu.memory_space<vmem>>
    %dma_start3A_551 = arith.constant 384 : i32
    %dma_start3A_552 = tpu.memref_slice %arg5[%dma_start3A_551] : memref<512xi32, #tpu.memory_space<vmem>> -> memref<32xi32, #tpu.memory_space<vmem>>
    %dma_start3A_553 = arith.constant 0 : i32
    %dma_start3A_554 = arith.constant 0 : i32
    %dma_start3A_555 = tpu.memref_slice %arg2[%dma_start3A_553, %dma_start3A_554] : memref<16384x1024xf32, #tpu.memory_space<hbm>> -> memref<16384x1024xf32, #tpu.memory_space<hbm>>
    tpu.enqueue_indirect_dma source(%dma_start3A_555 : memref<16384x1024xf32, #tpu.memory_space<hbm>>) target(%dma_start3A_550 : memref<32x1024xf32, #tpu.memory_space<vmem>>) offsets(%dma_start3A_552 : memref<32xi32, #tpu.memory_space<vmem>>) semaphore(%arg7 : memref<!tpu.dma_semaphore, #tpu.memory_space<semaphore_mem>>)
    %dma_wait3A_556 = arith.constant 2 : i32
    %dma_wait3A_557 = arith.constant 0 : i32
    %dma_wait3A_558 = arith.constant 0 : i32
    %dma_wait3A_559 = tpu.memref_slice %arg6[%dma_wait3A_556, %dma_wait3A_557, %dma_wait3A_558] : memref<3x32x1024xf32, #tpu.memory_space<vmem>> -> memref<1x32x1024xf32, #tpu.memory_space<vmem>>
    %dma_wait3A_560 = tpu.memref_squeeze %dma_wait3A_559 : memref<1x32x1024xf32, #tpu.memory_space<vmem>> -> memref<32x1024xf32, #tpu.memory_space<vmem>>
    %dma_wait3A_561 = arith.constant 352 : i32
    %dma_wait3A_562 = tpu.memref_slice %arg5[%dma_wait3A_561] : memref<512xi32, #tpu.memory_space<vmem>> -> memref<32xi32, #tpu.memory_space<vmem>>
    %dma_wait3A_563 = arith.constant 0 : i32
    %dma_wait3A_564 = arith.constant 0 : i32
    %dma_wait3A_565 = tpu.memref_slice %arg2[%dma_wait3A_563, %dma_wait3A_564] : memref<16384x1024xf32, #tpu.memory_space<hbm>> -> memref<16384x1024xf32, #tpu.memory_space<hbm>>
    tpu.wait_indirect_dma semaphore(%arg9 : memref<!tpu.dma_semaphore, #tpu.memory_space<semaphore_mem>>) src(%dma_wait3A_565 : memref<16384x1024xf32, #tpu.memory_space<hbm>>) dst(%dma_wait3A_560 : memref<32x1024xf32, #tpu.memory_space<vmem>>)
    %add3A_566 = arith.constant 352 : i32
    %add3A_567 = arith.addi %mul3A_2, %add3A_566 : i32
    %dma_start3A_568 = arith.constant 2 : i32
    %dma_start3A_569 = arith.constant 0 : i32
    %dma_start3A_570 = arith.constant 0 : i32
    %dma_start3A_571 = tpu.memref_slice %arg6[%dma_start3A_568, %dma_start3A_569, %dma_start3A_570] : memref<3x32x1024xf32, #tpu.memory_space<vmem>> -> memref<1x32x1024xf32, #tpu.memory_space<vmem>>
    %dma_start3A_572 = tpu.memref_squeeze %dma_start3A_571 : memref<1x32x1024xf32, #tpu.memory_space<vmem>> -> memref<32x1024xf32, #tpu.memory_space<vmem>>
    %dma_start3A_573 = arith.constant 0 : i32
    %dma_start3A_574 = tpu.memref_slice %arg4[%add3A_567, %dma_start3A_573] : memref<16384x1024xf32, #tpu.memory_space<hbm>> -> memref<32x1024xf32, #tpu.memory_space<hbm>>
    %dma_start3A_575 = arith.constant 0 : i32
    %dma_start3A_576 = tpu.memref_slice %arg4[%add3A_567, %dma_start3A_575] : memref<16384x1024xf32, #tpu.memory_space<hbm>> -> memref<32x1024xf32, #tpu.memory_space<hbm>>
    %dma_start3A_577 = arith.constant 0 : i32
    %dma_start3A_578 = arith.constant 0 : i32
    %dma_start3A_579 = tpu.memref_slice %arg6[%dma_start3A_568, %dma_start3A_577, %dma_start3A_578] : memref<3x32x1024xf32, #tpu.memory_space<vmem>> -> memref<1x32x1024xf32, #tpu.memory_space<vmem>>
    %dma_start3A_580 = tpu.memref_squeeze %dma_start3A_579 : memref<1x32x1024xf32, #tpu.memory_space<vmem>> -> memref<32x1024xf32, #tpu.memory_space<vmem>>
    tpu.enqueue_dma source(%dma_start3A_580 : memref<32x1024xf32, #tpu.memory_space<vmem>>) target(%dma_start3A_576 : memref<32x1024xf32, #tpu.memory_space<hbm>>) target_semaphore(%arg12 : memref<!tpu.dma_semaphore, #tpu.memory_space<semaphore_mem>>)
    %add3A_581 = arith.constant 320 : i32
    %add3A_582 = arith.addi %mul3A_2, %add3A_581 : i32
    %dma_wait3A_583 = arith.constant 1 : i32
    %dma_wait3A_584 = arith.constant 0 : i32
    %dma_wait3A_585 = arith.constant 0 : i32
    %dma_wait3A_586 = tpu.memref_slice %arg6[%dma_wait3A_583, %dma_wait3A_584, %dma_wait3A_585] : memref<3x32x1024xf32, #tpu.memory_space<vmem>> -> memref<1x32x1024xf32, #tpu.memory_space<vmem>>
    %dma_wait3A_587 = tpu.memref_squeeze %dma_wait3A_586 : memref<1x32x1024xf32, #tpu.memory_space<vmem>> -> memref<32x1024xf32, #tpu.memory_space<vmem>>
    %dma_wait3A_588 = arith.constant 0 : i32
    %dma_wait3A_589 = tpu.memref_slice %arg4[%add3A_582, %dma_wait3A_588] : memref<16384x1024xf32, #tpu.memory_space<hbm>> -> memref<32x1024xf32, #tpu.memory_space<hbm>>
    %dma_wait3A_590 = arith.constant 0 : i32
    %dma_wait3A_591 = tpu.memref_slice %arg4[%add3A_582, %dma_wait3A_590] : memref<16384x1024xf32, #tpu.memory_space<hbm>> -> memref<32x1024xf32, #tpu.memory_space<hbm>>
    %dma_wait3A_592 = arith.constant 0 : i32
    %dma_wait3A_593 = arith.constant 0 : i32
    %dma_wait3A_594 = tpu.memref_slice %arg6[%dma_wait3A_583, %dma_wait3A_592, %dma_wait3A_593] : memref<3x32x1024xf32, #tpu.memory_space<vmem>> -> memref<1x32x1024xf32, #tpu.memory_space<vmem>>
    %dma_wait3A_595 = tpu.memref_squeeze %dma_wait3A_594 : memref<1x32x1024xf32, #tpu.memory_space<vmem>> -> memref<32x1024xf32, #tpu.memory_space<vmem>>
    tpu.wait_dma2 semaphore(%arg11 : memref<!tpu.dma_semaphore, #tpu.memory_space<semaphore_mem>>) src(%dma_wait3A_595 : memref<32x1024xf32, #tpu.memory_space<vmem>>) dst(%dma_wait3A_591 : memref<32x1024xf32, #tpu.memory_space<hbm>>)
    %dma_start3A_596 = arith.constant 1 : i32
    %dma_start3A_597 = arith.constant 0 : i32
    %dma_start3A_598 = arith.constant 0 : i32
    %dma_start3A_599 = tpu.memref_slice %arg6[%dma_start3A_596, %dma_start3A_597, %dma_start3A_598] : memref<3x32x1024xf32, #tpu.memory_space<vmem>> -> memref<1x32x1024xf32, #tpu.memory_space<vmem>>
    %dma_start3A_600 = tpu.memref_squeeze %dma_start3A_599 : memref<1x32x1024xf32, #tpu.memory_space<vmem>> -> memref<32x1024xf32, #tpu.memory_space<vmem>>
    %dma_start3A_601 = arith.constant 416 : i32
    %dma_start3A_602 = tpu.memref_slice %arg5[%dma_start3A_601] : memref<512xi32, #tpu.memory_space<vmem>> -> memref<32xi32, #tpu.memory_space<vmem>>
    %dma_start3A_603 = arith.constant 0 : i32
    %dma_start3A_604 = arith.constant 0 : i32
    %dma_start3A_605 = tpu.memref_slice %arg2[%dma_start3A_603, %dma_start3A_604] : memref<16384x1024xf32, #tpu.memory_space<hbm>> -> memref<16384x1024xf32, #tpu.memory_space<hbm>>
    tpu.enqueue_indirect_dma source(%dma_start3A_605 : memref<16384x1024xf32, #tpu.memory_space<hbm>>) target(%dma_start3A_600 : memref<32x1024xf32, #tpu.memory_space<vmem>>) offsets(%dma_start3A_602 : memref<32xi32, #tpu.memory_space<vmem>>) semaphore(%arg8 : memref<!tpu.dma_semaphore, #tpu.memory_space<semaphore_mem>>)
    %dma_wait3A_606 = arith.constant 0 : i32
    %dma_wait3A_607 = arith.constant 0 : i32
    %dma_wait3A_608 = arith.constant 0 : i32
    %dma_wait3A_609 = tpu.memref_slice %arg6[%dma_wait3A_606, %dma_wait3A_607, %dma_wait3A_608] : memref<3x32x1024xf32, #tpu.memory_space<vmem>> -> memref<1x32x1024xf32, #tpu.memory_space<vmem>>
    %dma_wait3A_610 = tpu.memref_squeeze %dma_wait3A_609 : memref<1x32x1024xf32, #tpu.memory_space<vmem>> -> memref<32x1024xf32, #tpu.memory_space<vmem>>
    %dma_wait3A_611 = arith.constant 384 : i32
    %dma_wait3A_612 = tpu.memref_slice %arg5[%dma_wait3A_611] : memref<512xi32, #tpu.memory_space<vmem>> -> memref<32xi32, #tpu.memory_space<vmem>>
    %dma_wait3A_613 = arith.constant 0 : i32
    %dma_wait3A_614 = arith.constant 0 : i32
    %dma_wait3A_615 = tpu.memref_slice %arg2[%dma_wait3A_613, %dma_wait3A_614] : memref<16384x1024xf32, #tpu.memory_space<hbm>> -> memref<16384x1024xf32, #tpu.memory_space<hbm>>
    tpu.wait_indirect_dma semaphore(%arg7 : memref<!tpu.dma_semaphore, #tpu.memory_space<semaphore_mem>>) src(%dma_wait3A_615 : memref<16384x1024xf32, #tpu.memory_space<hbm>>) dst(%dma_wait3A_610 : memref<32x1024xf32, #tpu.memory_space<vmem>>)
    %add3A_616 = arith.constant 384 : i32
    %add3A_617 = arith.addi %mul3A_2, %add3A_616 : i32
    %dma_start3A_618 = arith.constant 0 : i32
    %dma_start3A_619 = arith.constant 0 : i32
    %dma_start3A_620 = arith.constant 0 : i32
    %dma_start3A_621 = tpu.memref_slice %arg6[%dma_start3A_618, %dma_start3A_619, %dma_start3A_620] : memref<3x32x1024xf32, #tpu.memory_space<vmem>> -> memref<1x32x1024xf32, #tpu.memory_space<vmem>>
    %dma_start3A_622 = tpu.memref_squeeze %dma_start3A_621 : memref<1x32x1024xf32, #tpu.memory_space<vmem>> -> memref<32x1024xf32, #tpu.memory_space<vmem>>
    %dma_start3A_623 = arith.constant 0 : i32
    %dma_start3A_624 = tpu.memref_slice %arg4[%add3A_617, %dma_start3A_623] : memref<16384x1024xf32, #tpu.memory_space<hbm>> -> memref<32x1024xf32, #tpu.memory_space<hbm>>
    %dma_start3A_625 = arith.constant 0 : i32
    %dma_start3A_626 = tpu.memref_slice %arg4[%add3A_617, %dma_start3A_625] : memref<16384x1024xf32, #tpu.memory_space<hbm>> -> memref<32x1024xf32, #tpu.memory_space<hbm>>
    %dma_start3A_627 = arith.constant 0 : i32
    %dma_start3A_628 = arith.constant 0 : i32
    %dma_start3A_629 = tpu.memref_slice %arg6[%dma_start3A_618, %dma_start3A_627, %dma_start3A_628] : memref<3x32x1024xf32, #tpu.memory_space<vmem>> -> memref<1x32x1024xf32, #tpu.memory_space<vmem>>
    %dma_start3A_630 = tpu.memref_squeeze %dma_start3A_629 : memref<1x32x1024xf32, #tpu.memory_space<vmem>> -> memref<32x1024xf32, #tpu.memory_space<vmem>>
    tpu.enqueue_dma source(%dma_start3A_630 : memref<32x1024xf32, #tpu.memory_space<vmem>>) target(%dma_start3A_626 : memref<32x1024xf32, #tpu.memory_space<hbm>>) target_semaphore(%arg10 : memref<!tpu.dma_semaphore, #tpu.memory_space<semaphore_mem>>)
    %add3A_631 = arith.constant 352 : i32
    %add3A_632 = arith.addi %mul3A_2, %add3A_631 : i32
    %dma_wait3A_633 = arith.constant 2 : i32
    %dma_wait3A_634 = arith.constant 0 : i32
    %dma_wait3A_635 = arith.constant 0 : i32
    %dma_wait3A_636 = tpu.memref_slice %arg6[%dma_wait3A_633, %dma_wait3A_634, %dma_wait3A_635] : memref<3x32x1024xf32, #tpu.memory_space<vmem>> -> memref<1x32x1024xf32, #tpu.memory_space<vmem>>
    %dma_wait3A_637 = tpu.memref_squeeze %dma_wait3A_636 : memref<1x32x1024xf32, #tpu.memory_space<vmem>> -> memref<32x1024xf32, #tpu.memory_space<vmem>>
    %dma_wait3A_638 = arith.constant 0 : i32
    %dma_wait3A_639 = tpu.memref_slice %arg4[%add3A_632, %dma_wait3A_638] : memref<16384x1024xf32, #tpu.memory_space<hbm>> -> memref<32x1024xf32, #tpu.memory_space<hbm>>
    %dma_wait3A_640 = arith.constant 0 : i32
    %dma_wait3A_641 = tpu.memref_slice %arg4[%add3A_632, %dma_wait3A_640] : memref<16384x1024xf32, #tpu.memory_space<hbm>> -> memref<32x1024xf32, #tpu.memory_space<hbm>>
    %dma_wait3A_642 = arith.constant 0 : i32
    %dma_wait3A_643 = arith.constant 0 : i32
    %dma_wait3A_644 = tpu.memref_slice %arg6[%dma_wait3A_633, %dma_wait3A_642, %dma_wait3A_643] : memref<3x32x1024xf32, #tpu.memory_space<vmem>> -> memref<1x32x1024xf32, #tpu.memory_space<vmem>>
    %dma_wait3A_645 = tpu.memref_squeeze %dma_wait3A_644 : memref<1x32x1024xf32, #tpu.memory_space<vmem>> -> memref<32x1024xf32, #tpu.memory_space<vmem>>
    tpu.wait_dma2 semaphore(%arg12 : memref<!tpu.dma_semaphore, #tpu.memory_space<semaphore_mem>>) src(%dma_wait3A_645 : memref<32x1024xf32, #tpu.memory_space<vmem>>) dst(%dma_wait3A_641 : memref<32x1024xf32, #tpu.memory_space<hbm>>)
    %dma_start3A_646 = arith.constant 2 : i32
    %dma_start3A_647 = arith.constant 0 : i32
    %dma_start3A_648 = arith.constant 0 : i32
    %dma_start3A_649 = tpu.memref_slice %arg6[%dma_start3A_646, %dma_start3A_647, %dma_start3A_648] : memref<3x32x1024xf32, #tpu.memory_space<vmem>> -> memref<1x32x1024xf32, #tpu.memory_space<vmem>>
    %dma_start3A_650 = tpu.memref_squeeze %dma_start3A_649 : memref<1x32x1024xf32, #tpu.memory_space<vmem>> -> memref<32x1024xf32, #tpu.memory_space<vmem>>
    %dma_start3A_651 = arith.constant 448 : i32
    %dma_start3A_652 = tpu.memref_slice %arg5[%dma_start3A_651] : memref<512xi32, #tpu.memory_space<vmem>> -> memref<32xi32, #tpu.memory_space<vmem>>
    %dma_start3A_653 = arith.constant 0 : i32
    %dma_start3A_654 = arith.constant 0 : i32
    %dma_start3A_655 = tpu.memref_slice %arg2[%dma_start3A_653, %dma_start3A_654] : memref<16384x1024xf32, #tpu.memory_space<hbm>> -> memref<16384x1024xf32, #tpu.memory_space<hbm>>
    tpu.enqueue_indirect_dma source(%dma_start3A_655 : memref<16384x1024xf32, #tpu.memory_space<hbm>>) target(%dma_start3A_650 : memref<32x1024xf32, #tpu.memory_space<vmem>>) offsets(%dma_start3A_652 : memref<32xi32, #tpu.memory_space<vmem>>) semaphore(%arg9 : memref<!tpu.dma_semaphore, #tpu.memory_space<semaphore_mem>>)
    %dma_wait3A_656 = arith.constant 1 : i32
    %dma_wait3A_657 = arith.constant 0 : i32
    %dma_wait3A_658 = arith.constant 0 : i32
    %dma_wait3A_659 = tpu.memref_slice %arg6[%dma_wait3A_656, %dma_wait3A_657, %dma_wait3A_658] : memref<3x32x1024xf32, #tpu.memory_space<vmem>> -> memref<1x32x1024xf32, #tpu.memory_space<vmem>>
    %dma_wait3A_660 = tpu.memref_squeeze %dma_wait3A_659 : memref<1x32x1024xf32, #tpu.memory_space<vmem>> -> memref<32x1024xf32, #tpu.memory_space<vmem>>
    %dma_wait3A_661 = arith.constant 416 : i32
    %dma_wait3A_662 = tpu.memref_slice %arg5[%dma_wait3A_661] : memref<512xi32, #tpu.memory_space<vmem>> -> memref<32xi32, #tpu.memory_space<vmem>>
    %dma_wait3A_663 = arith.constant 0 : i32
    %dma_wait3A_664 = arith.constant 0 : i32
    %dma_wait3A_665 = tpu.memref_slice %arg2[%dma_wait3A_663, %dma_wait3A_664] : memref<16384x1024xf32, #tpu.memory_space<hbm>> -> memref<16384x1024xf32, #tpu.memory_space<hbm>>
    tpu.wait_indirect_dma semaphore(%arg8 : memref<!tpu.dma_semaphore, #tpu.memory_space<semaphore_mem>>) src(%dma_wait3A_665 : memref<16384x1024xf32, #tpu.memory_space<hbm>>) dst(%dma_wait3A_660 : memref<32x1024xf32, #tpu.memory_space<vmem>>)
    %add3A_666 = arith.constant 416 : i32
    %add3A_667 = arith.addi %mul3A_2, %add3A_666 : i32
    %dma_start3A_668 = arith.constant 1 : i32
    %dma_start3A_669 = arith.constant 0 : i32
    %dma_start3A_670 = arith.constant 0 : i32
    %dma_start3A_671 = tpu.memref_slice %arg6[%dma_start3A_668, %dma_start3A_669, %dma_start3A_670] : memref<3x32x1024xf32, #tpu.memory_space<vmem>> -> memref<1x32x1024xf32, #tpu.memory_space<vmem>>
    %dma_start3A_672 = tpu.memref_squeeze %dma_start3A_671 : memref<1x32x1024xf32, #tpu.memory_space<vmem>> -> memref<32x1024xf32, #tpu.memory_space<vmem>>
    %dma_start3A_673 = arith.constant 0 : i32
    %dma_start3A_674 = tpu.memref_slice %arg4[%add3A_667, %dma_start3A_673] : memref<16384x1024xf32, #tpu.memory_space<hbm>> -> memref<32x1024xf32, #tpu.memory_space<hbm>>
    %dma_start3A_675 = arith.constant 0 : i32
    %dma_start3A_676 = tpu.memref_slice %arg4[%add3A_667, %dma_start3A_675] : memref<16384x1024xf32, #tpu.memory_space<hbm>> -> memref<32x1024xf32, #tpu.memory_space<hbm>>
    %dma_start3A_677 = arith.constant 0 : i32
    %dma_start3A_678 = arith.constant 0 : i32
    %dma_start3A_679 = tpu.memref_slice %arg6[%dma_start3A_668, %dma_start3A_677, %dma_start3A_678] : memref<3x32x1024xf32, #tpu.memory_space<vmem>> -> memref<1x32x1024xf32, #tpu.memory_space<vmem>>
    %dma_start3A_680 = tpu.memref_squeeze %dma_start3A_679 : memref<1x32x1024xf32, #tpu.memory_space<vmem>> -> memref<32x1024xf32, #tpu.memory_space<vmem>>
    tpu.enqueue_dma source(%dma_start3A_680 : memref<32x1024xf32, #tpu.memory_space<vmem>>) target(%dma_start3A_676 : memref<32x1024xf32, #tpu.memory_space<hbm>>) target_semaphore(%arg11 : memref<!tpu.dma_semaphore, #tpu.memory_space<semaphore_mem>>)
    %add3A_681 = arith.constant 384 : i32
    %add3A_682 = arith.addi %mul3A_2, %add3A_681 : i32
    %dma_wait3A_683 = arith.constant 0 : i32
    %dma_wait3A_684 = arith.constant 0 : i32
    %dma_wait3A_685 = arith.constant 0 : i32
    %dma_wait3A_686 = tpu.memref_slice %arg6[%dma_wait3A_683, %dma_wait3A_684, %dma_wait3A_685] : memref<3x32x1024xf32, #tpu.memory_space<vmem>> -> memref<1x32x1024xf32, #tpu.memory_space<vmem>>
    %dma_wait3A_687 = tpu.memref_squeeze %dma_wait3A_686 : memref<1x32x1024xf32, #tpu.memory_space<vmem>> -> memref<32x1024xf32, #tpu.memory_space<vmem>>
    %dma_wait3A_688 = arith.constant 0 : i32
    %dma_wait3A_689 = tpu.memref_slice %arg4[%add3A_682, %dma_wait3A_688] : memref<16384x1024xf32, #tpu.memory_space<hbm>> -> memref<32x1024xf32, #tpu.memory_space<hbm>>
    %dma_wait3A_690 = arith.constant 0 : i32
    %dma_wait3A_691 = tpu.memref_slice %arg4[%add3A_682, %dma_wait3A_690] : memref<16384x1024xf32, #tpu.memory_space<hbm>> -> memref<32x1024xf32, #tpu.memory_space<hbm>>
    %dma_wait3A_692 = arith.constant 0 : i32
    %dma_wait3A_693 = arith.constant 0 : i32
    %dma_wait3A_694 = tpu.memref_slice %arg6[%dma_wait3A_683, %dma_wait3A_692, %dma_wait3A_693] : memref<3x32x1024xf32, #tpu.memory_space<vmem>> -> memref<1x32x1024xf32, #tpu.memory_space<vmem>>
    %dma_wait3A_695 = tpu.memref_squeeze %dma_wait3A_694 : memref<1x32x1024xf32, #tpu.memory_space<vmem>> -> memref<32x1024xf32, #tpu.memory_space<vmem>>
    tpu.wait_dma2 semaphore(%arg10 : memref<!tpu.dma_semaphore, #tpu.memory_space<semaphore_mem>>) src(%dma_wait3A_695 : memref<32x1024xf32, #tpu.memory_space<vmem>>) dst(%dma_wait3A_691 : memref<32x1024xf32, #tpu.memory_space<hbm>>)
    %dma_start3A_696 = arith.constant 0 : i32
    %dma_start3A_697 = arith.constant 0 : i32
    %dma_start3A_698 = arith.constant 0 : i32
    %dma_start3A_699 = tpu.memref_slice %arg6[%dma_start3A_696, %dma_start3A_697, %dma_start3A_698] : memref<3x32x1024xf32, #tpu.memory_space<vmem>> -> memref<1x32x1024xf32, #tpu.memory_space<vmem>>
    %dma_start3A_700 = tpu.memref_squeeze %dma_start3A_699 : memref<1x32x1024xf32, #tpu.memory_space<vmem>> -> memref<32x1024xf32, #tpu.memory_space<vmem>>
    %dma_start3A_701 = arith.constant 480 : i32
    %dma_start3A_702 = tpu.memref_slice %arg5[%dma_start3A_701] : memref<512xi32, #tpu.memory_space<vmem>> -> memref<32xi32, #tpu.memory_space<vmem>>
    %dma_start3A_703 = arith.constant 0 : i32
    %dma_start3A_704 = arith.constant 0 : i32
    %dma_start3A_705 = tpu.memref_slice %arg2[%dma_start3A_703, %dma_start3A_704] : memref<16384x1024xf32, #tpu.memory_space<hbm>> -> memref<16384x1024xf32, #tpu.memory_space<hbm>>
    tpu.enqueue_indirect_dma source(%dma_start3A_705 : memref<16384x1024xf32, #tpu.memory_space<hbm>>) target(%dma_start3A_700 : memref<32x1024xf32, #tpu.memory_space<vmem>>) offsets(%dma_start3A_702 : memref<32xi32, #tpu.memory_space<vmem>>) semaphore(%arg7 : memref<!tpu.dma_semaphore, #tpu.memory_space<semaphore_mem>>)
    %dma_wait3A_706 = arith.constant 2 : i32
    %dma_wait3A_707 = arith.constant 0 : i32
    %dma_wait3A_708 = arith.constant 0 : i32
    %dma_wait3A_709 = tpu.memref_slice %arg6[%dma_wait3A_706, %dma_wait3A_707, %dma_wait3A_708] : memref<3x32x1024xf32, #tpu.memory_space<vmem>> -> memref<1x32x1024xf32, #tpu.memory_space<vmem>>
    %dma_wait3A_710 = tpu.memref_squeeze %dma_wait3A_709 : memref<1x32x1024xf32, #tpu.memory_space<vmem>> -> memref<32x1024xf32, #tpu.memory_space<vmem>>
    %dma_wait3A_711 = arith.constant 448 : i32
    %dma_wait3A_712 = tpu.memref_slice %arg5[%dma_wait3A_711] : memref<512xi32, #tpu.memory_space<vmem>> -> memref<32xi32, #tpu.memory_space<vmem>>
    %dma_wait3A_713 = arith.constant 0 : i32
    %dma_wait3A_714 = arith.constant 0 : i32
    %dma_wait3A_715 = tpu.memref_slice %arg2[%dma_wait3A_713, %dma_wait3A_714] : memref<16384x1024xf32, #tpu.memory_space<hbm>> -> memref<16384x1024xf32, #tpu.memory_space<hbm>>
    tpu.wait_indirect_dma semaphore(%arg9 : memref<!tpu.dma_semaphore, #tpu.memory_space<semaphore_mem>>) src(%dma_wait3A_715 : memref<16384x1024xf32, #tpu.memory_space<hbm>>) dst(%dma_wait3A_710 : memref<32x1024xf32, #tpu.memory_space<vmem>>)
    %add3A_716 = arith.constant 448 : i32
    %add3A_717 = arith.addi %mul3A_2, %add3A_716 : i32
    %dma_start3A_718 = arith.constant 2 : i32
    %dma_start3A_719 = arith.constant 0 : i32
    %dma_start3A_720 = arith.constant 0 : i32
    %dma_start3A_721 = tpu.memref_slice %arg6[%dma_start3A_718, %dma_start3A_719, %dma_start3A_720] : memref<3x32x1024xf32, #tpu.memory_space<vmem>> -> memref<1x32x1024xf32, #tpu.memory_space<vmem>>
    %dma_start3A_722 = tpu.memref_squeeze %dma_start3A_721 : memref<1x32x1024xf32, #tpu.memory_space<vmem>> -> memref<32x1024xf32, #tpu.memory_space<vmem>>
    %dma_start3A_723 = arith.constant 0 : i32
    %dma_start3A_724 = tpu.memref_slice %arg4[%add3A_717, %dma_start3A_723] : memref<16384x1024xf32, #tpu.memory_space<hbm>> -> memref<32x1024xf32, #tpu.memory_space<hbm>>
    %dma_start3A_725 = arith.constant 0 : i32
    %dma_start3A_726 = tpu.memref_slice %arg4[%add3A_717, %dma_start3A_725] : memref<16384x1024xf32, #tpu.memory_space<hbm>> -> memref<32x1024xf32, #tpu.memory_space<hbm>>
    %dma_start3A_727 = arith.constant 0 : i32
    %dma_start3A_728 = arith.constant 0 : i32
    %dma_start3A_729 = tpu.memref_slice %arg6[%dma_start3A_718, %dma_start3A_727, %dma_start3A_728] : memref<3x32x1024xf32, #tpu.memory_space<vmem>> -> memref<1x32x1024xf32, #tpu.memory_space<vmem>>
    %dma_start3A_730 = tpu.memref_squeeze %dma_start3A_729 : memref<1x32x1024xf32, #tpu.memory_space<vmem>> -> memref<32x1024xf32, #tpu.memory_space<vmem>>
    tpu.enqueue_dma source(%dma_start3A_730 : memref<32x1024xf32, #tpu.memory_space<vmem>>) target(%dma_start3A_726 : memref<32x1024xf32, #tpu.memory_space<hbm>>) target_semaphore(%arg12 : memref<!tpu.dma_semaphore, #tpu.memory_space<semaphore_mem>>)
    %dma_wait3A_731 = arith.constant 0 : i32
    %dma_wait3A_732 = arith.constant 0 : i32
    %dma_wait3A_733 = arith.constant 0 : i32
    %dma_wait3A_734 = tpu.memref_slice %arg6[%dma_wait3A_731, %dma_wait3A_732, %dma_wait3A_733] : memref<3x32x1024xf32, #tpu.memory_space<vmem>> -> memref<1x32x1024xf32, #tpu.memory_space<vmem>>
    %dma_wait3A_735 = tpu.memref_squeeze %dma_wait3A_734 : memref<1x32x1024xf32, #tpu.memory_space<vmem>> -> memref<32x1024xf32, #tpu.memory_space<vmem>>
    %dma_wait3A_736 = arith.constant 480 : i32
    %dma_wait3A_737 = tpu.memref_slice %arg5[%dma_wait3A_736] : memref<512xi32, #tpu.memory_space<vmem>> -> memref<32xi32, #tpu.memory_space<vmem>>
    %dma_wait3A_738 = arith.constant 0 : i32
    %dma_wait3A_739 = arith.constant 0 : i32
    %dma_wait3A_740 = tpu.memref_slice %arg2[%dma_wait3A_738, %dma_wait3A_739] : memref<16384x1024xf32, #tpu.memory_space<hbm>> -> memref<16384x1024xf32, #tpu.memory_space<hbm>>
    tpu.wait_indirect_dma semaphore(%arg7 : memref<!tpu.dma_semaphore, #tpu.memory_space<semaphore_mem>>) src(%dma_wait3A_740 : memref<16384x1024xf32, #tpu.memory_space<hbm>>) dst(%dma_wait3A_735 : memref<32x1024xf32, #tpu.memory_space<vmem>>)
    %add3A_741 = arith.constant 480 : i32
    %add3A_742 = arith.addi %mul3A_2, %add3A_741 : i32
    %dma_start3A_743 = arith.constant 0 : i32
    %dma_start3A_744 = arith.constant 0 : i32
    %dma_start3A_745 = arith.constant 0 : i32
    %dma_start3A_746 = tpu.memref_slice %arg6[%dma_start3A_743, %dma_start3A_744, %dma_start3A_745] : memref<3x32x1024xf32, #tpu.memory_space<vmem>> -> memref<1x32x1024xf32, #tpu.memory_space<vmem>>
    %dma_start3A_747 = tpu.memref_squeeze %dma_start3A_746 : memref<1x32x1024xf32, #tpu.memory_space<vmem>> -> memref<32x1024xf32, #tpu.memory_space<vmem>>
    %dma_start3A_748 = arith.constant 0 : i32
    %dma_start3A_749 = tpu.memref_slice %arg4[%add3A_742, %dma_start3A_748] : memref<16384x1024xf32, #tpu.memory_space<hbm>> -> memref<32x1024xf32, #tpu.memory_space<hbm>>
    %dma_start3A_750 = arith.constant 0 : i32
    %dma_start3A_751 = tpu.memref_slice %arg4[%add3A_742, %dma_start3A_750] : memref<16384x1024xf32, #tpu.memory_space<hbm>> -> memref<32x1024xf32, #tpu.memory_space<hbm>>
    %dma_start3A_752 = arith.constant 0 : i32
    %dma_start3A_753 = arith.constant 0 : i32
    %dma_start3A_754 = tpu.memref_slice %arg6[%dma_start3A_743, %dma_start3A_752, %dma_start3A_753] : memref<3x32x1024xf32, #tpu.memory_space<vmem>> -> memref<1x32x1024xf32, #tpu.memory_space<vmem>>
    %dma_start3A_755 = tpu.memref_squeeze %dma_start3A_754 : memref<1x32x1024xf32, #tpu.memory_space<vmem>> -> memref<32x1024xf32, #tpu.memory_space<vmem>>
    tpu.enqueue_dma source(%dma_start3A_755 : memref<32x1024xf32, #tpu.memory_space<vmem>>) target(%dma_start3A_751 : memref<32x1024xf32, #tpu.memory_space<hbm>>) target_semaphore(%arg10 : memref<!tpu.dma_semaphore, #tpu.memory_space<semaphore_mem>>)
    %add3A_756 = arith.constant 416 : i32
    %add3A_757 = arith.addi %mul3A_2, %add3A_756 : i32
    %dma_wait3A_758 = arith.constant 1 : i32
    %dma_wait3A_759 = arith.constant 0 : i32
    %dma_wait3A_760 = arith.constant 0 : i32
    %dma_wait3A_761 = tpu.memref_slice %arg6[%dma_wait3A_758, %dma_wait3A_759, %dma_wait3A_760] : memref<3x32x1024xf32, #tpu.memory_space<vmem>> -> memref<1x32x1024xf32, #tpu.memory_space<vmem>>
    %dma_wait3A_762 = tpu.memref_squeeze %dma_wait3A_761 : memref<1x32x1024xf32, #tpu.memory_space<vmem>> -> memref<32x1024xf32, #tpu.memory_space<vmem>>
    %dma_wait3A_763 = arith.constant 0 : i32
    %dma_wait3A_764 = tpu.memref_slice %arg4[%add3A_757, %dma_wait3A_763] : memref<16384x1024xf32, #tpu.memory_space<hbm>> -> memref<32x1024xf32, #tpu.memory_space<hbm>>
    %dma_wait3A_765 = arith.constant 0 : i32
    %dma_wait3A_766 = tpu.memref_slice %arg4[%add3A_757, %dma_wait3A_765] : memref<16384x1024xf32, #tpu.memory_space<hbm>> -> memref<32x1024xf32, #tpu.memory_space<hbm>>
    %dma_wait3A_767 = arith.constant 0 : i32
    %dma_wait3A_768 = arith.constant 0 : i32
    %dma_wait3A_769 = tpu.memref_slice %arg6[%dma_wait3A_758, %dma_wait3A_767, %dma_wait3A_768] : memref<3x32x1024xf32, #tpu.memory_space<vmem>> -> memref<1x32x1024xf32, #tpu.memory_space<vmem>>
    %dma_wait3A_770 = tpu.memref_squeeze %dma_wait3A_769 : memref<1x32x1024xf32, #tpu.memory_space<vmem>> -> memref<32x1024xf32, #tpu.memory_space<vmem>>
    tpu.wait_dma2 semaphore(%arg11 : memref<!tpu.dma_semaphore, #tpu.memory_space<semaphore_mem>>) src(%dma_wait3A_770 : memref<32x1024xf32, #tpu.memory_space<vmem>>) dst(%dma_wait3A_766 : memref<32x1024xf32, #tpu.memory_space<hbm>>)
    %add3A_771 = arith.constant 448 : i32
    %add3A_772 = arith.addi %mul3A_2, %add3A_771 : i32
    %dma_wait3A_773 = arith.constant 2 : i32
    %dma_wait3A_774 = arith.constant 0 : i32
    %dma_wait3A_775 = arith.constant 0 : i32
    %dma_wait3A_776 = tpu.memref_slice %arg6[%dma_wait3A_773, %dma_wait3A_774, %dma_wait3A_775] : memref<3x32x1024xf32, #tpu.memory_space<vmem>> -> memref<1x32x1024xf32, #tpu.memory_space<vmem>>
    %dma_wait3A_777 = tpu.memref_squeeze %dma_wait3A_776 : memref<1x32x1024xf32, #tpu.memory_space<vmem>> -> memref<32x1024xf32, #tpu.memory_space<vmem>>
    %dma_wait3A_778 = arith.constant 0 : i32
    %dma_wait3A_779 = tpu.memref_slice %arg4[%add3A_772, %dma_wait3A_778] : memref<16384x1024xf32, #tpu.memory_space<hbm>> -> memref<32x1024xf32, #tpu.memory_space<hbm>>
    %dma_wait3A_780 = arith.constant 0 : i32
    %dma_wait3A_781 = tpu.memref_slice %arg4[%add3A_772, %dma_wait3A_780] : memref<16384x1024xf32, #tpu.memory_space<hbm>> -> memref<32x1024xf32, #tpu.memory_space<hbm>>
    %dma_wait3A_782 = arith.constant 0 : i32
    %dma_wait3A_783 = arith.constant 0 : i32
    %dma_wait3A_784 = tpu.memref_slice %arg6[%dma_wait3A_773, %dma_wait3A_782, %dma_wait3A_783] : memref<3x32x1024xf32, #tpu.memory_space<vmem>> -> memref<1x32x1024xf32, #tpu.memory_space<vmem>>
    %dma_wait3A_785 = tpu.memref_squeeze %dma_wait3A_784 : memref<1x32x1024xf32, #tpu.memory_space<vmem>> -> memref<32x1024xf32, #tpu.memory_space<vmem>>
    tpu.wait_dma2 semaphore(%arg12 : memref<!tpu.dma_semaphore, #tpu.memory_space<semaphore_mem>>) src(%dma_wait3A_785 : memref<32x1024xf32, #tpu.memory_space<vmem>>) dst(%dma_wait3A_781 : memref<32x1024xf32, #tpu.memory_space<hbm>>)
    %add3A_786 = arith.constant 480 : i32
    %add3A_787 = arith.addi %mul3A_2, %add3A_786 : i32
    %dma_wait3A_788 = arith.constant 0 : i32
    %dma_wait3A_789 = arith.constant 0 : i32
    %dma_wait3A_790 = arith.constant 0 : i32
    %dma_wait3A_791 = tpu.memref_slice %arg6[%dma_wait3A_788, %dma_wait3A_789, %dma_wait3A_790] : memref<3x32x1024xf32, #tpu.memory_space<vmem>> -> memref<1x32x1024xf32, #tpu.memory_space<vmem>>
    %dma_wait3A_792 = tpu.memref_squeeze %dma_wait3A_791 : memref<1x32x1024xf32, #tpu.memory_space<vmem>> -> memref<32x1024xf32, #tpu.memory_space<vmem>>
    %dma_wait3A_793 = arith.constant 0 : i32
    %dma_wait3A_794 = tpu.memref_slice %arg4[%add3A_787, %dma_wait3A_793] : memref<16384x1024xf32, #tpu.memory_space<hbm>> -> memref<32x1024xf32, #tpu.memory_space<hbm>>
    %dma_wait3A_795 = arith.constant 0 : i32
    %dma_wait3A_796 = tpu.memref_slice %arg4[%add3A_787, %dma_wait3A_795] : memref<16384x1024xf32, #tpu.memory_space<hbm>> -> memref<32x1024xf32, #tpu.memory_space<hbm>>
    %dma_wait3A_797 = arith.constant 0 : i32
    %dma_wait3A_798 = arith.constant 0 : i32
    %dma_wait3A_799 = tpu.memref_slice %arg6[%dma_wait3A_788, %dma_wait3A_797, %dma_wait3A_798] : memref<3x32x1024xf32, #tpu.memory_space<vmem>> -> memref<1x32x1024xf32, #tpu.memory_space<vmem>>
    %dma_wait3A_800 = tpu.memref_squeeze %dma_wait3A_799 : memref<1x32x1024xf32, #tpu.memory_space<vmem>> -> memref<32x1024xf32, #tpu.memory_space<vmem>>
    tpu.wait_dma2 semaphore(%arg10 : memref<!tpu.dma_semaphore, #tpu.memory_space<semaphore_mem>>) src(%dma_wait3A_800 : memref<32x1024xf32, #tpu.memory_space<vmem>>) dst(%dma_wait3A_796 : memref<32x1024xf32, #tpu.memory_space<hbm>>)
    return
  }
}

</mosaic_0001>

<sc_bundles>
// kernel: kernel.3.cloned.1.call-start
scs
__scs_entry_jumppad:
0x0: {  	(pc) =	sbr.rel $0x88, $3  }
0x1: {  	(tag) =	ssettag $0x0;
	lr =	simm.s32 $0x1  }
0x2: {  	[smem:$0x3FA0] =	sst lr;
	_ =	strace $0xD0000000  }
0x3: {  	_ = 	snop  }
0x4: {  	_ = 	snop  }
0x5: {  	_ = 	snop  }
0x6: {  	_ = 	snop  }
0x7: {  	_ = 	snop  }
__scs_overlays_trampoline_lowered:
0x8: {  	[smem:$0x3FAF] =	sst s0  }
0x9: {  	[smem:$0x3FB0] =	sst s1  }
0xa: {  	[smem:$0x3FB1] =	sst s2  }
0xb: {  	[smem:$0x3FB2] =	sst s3  }
0xc: {  	[smem:$0x3FB3] =	sst s4  }
0xd: {  	[smem:$0x3FB4] =	sst s5  }
0xe: {  	[smem:$0x3FB5] =	sst s6  }
0xf: {  	[smem:$0x3FB6] =	sst s7  }
0x10: {  	[smem:$0x3FB7] =	sst s8  }
0x11: {  	[smem:$0x3FB8] =	sst s9;
	s0 =	simm.s32 @!p0 $0x0  }
0x12: {  	s1 =	sld [smem:$0x3F9E];
	s0 =	simm.s32 @p0 $0x1  }
0x13: {  	[smem:$0x3FB9] =	sst s0;
	s0 =	simm.s32 @!p1 $0x0  }
0x14: {  	s2 =	sld [smem:$0x3F9D];
	s0 =	simm.s32 @p1 $0x1  }
0x15: {  	[smem:$0x3FBA] =	sst s0;
	s0 =	simm.s32 @!p2 $0x0  }
0x16: {  	s3 =	sld [smem:$0x3FDB];
	s0 =	simm.s32 @p2 $0x1  }
0x17: {  	s4 =	simm.s32 $0x1BF5;
	[smem:$0x3FBC] =	sst s0  }
0x18: {  	s0 =	sld [smem:$0x3F9F];
	_ =	swait.ge [sflag:s4], $0x0  }
0x19: {  	s7 =	sld [smem:$0x3FA0]  }
0x1a: {  	s8 =	sadd.s32 $0xFFFFE003, lr  }
0x1b: {  	s9 =	sadd.s32 $0xFFFFFEF7, lr;
	s5 =	simm.s32 $0xFFFFFFFF;
	p2 =	slt.u32 s8, $0xFFFFF086  }
0x1c: {  	p1 =	slt.u32 s9, $0xF7A;
	s5 =	simm.s32 @!p2 $0x0  }
0x1d: {  	s5 =	simm.s32 @p1 $0x1;
	p0 =	seq.s32 s7, s2  }
0x1e: {  	s7 =	smul.u32 @!p0 $0xF7A, s2;
	p2 =	seq.s32 @!p0 s5, $0x0  }
0x1f: {  	s9 =	smul.u32 $0xF7A, s1;
	s8 =	simm.s32 @!p0 $0x1BF5;
	p2 =	por !p2, p0  }
0x20: {  	[sflag:s8] =	ssyncset.s32 @!p0 $0xFFFFF086;
	s6 =	sadd.s32 @!p0 s3, s7;
	s7 =	simm.s32 @!p0 $0x108  }
0x21: {  	s3 =	sadd.s32 s3, s9;
	s6 =	sadd.s32 @!p0 $0x88, s6;
	s7 =	simm.s32 @p2 $0x1082  }
0x22: {  	[simem:s7], [sflag:s8] =	dma.local @!p0 [hbm:s6], $0xF7A  }
0x23: {  	s9 =	sor.u32 $0xD0000000, s2;
	s6 =	simm.s32 $0x108;
	_ =	swait.ge @!p0 [sflag:s8], $0x0  }
0x24: {  	s3 =	sadd.s32 $0x88, s3;
	s6 =	simm.s32 @!p1 $0x1082;
	[sflag:s4] =	ssyncset.s32 $0xFFFFF086  }
0x25: {  	[simem:s6], [sflag:s4] =	dma.local [hbm:s3], $0xF7A  }
0x26: {  	[smem:$0x3FA0] =	sst s1;
	(tag) =	ssettag s2;
	_ =	strace s9  }
0x27: {  	s1 =	sld [smem:$0x3FB0]  }
0x28: {  	s2 =	sld [smem:$0x3FB1]  }
0x29: {  	s4 =	sld [smem:$0x3FB3]  }
0x2a: {  	p0 =	seq.s32 s5, $0x0;
	s5 =	sld [smem:$0x3FB4]  }
0x2b: {  	s6 =	sld [smem:$0x3FB5]  }
0x2c: {  	s7 =	sld [smem:$0x3FB6]  }
0x2d: {  	s3 =	simm.s32 $0x108;
	s8 =	sld [smem:$0x3FB7]  }
0x2e: {  	s3 =	simm.s32 @!p0 $0x1082;
	s9 =	sld [smem:$0x3FB8]  }
0x2f: {  	lr =	sadd.s32 s0, s3;
	s0 =	sld [smem:$0x3FAF]  }
0x30: {  	s3 =	sld [smem:$0x3FB2]  }
0x31: {  	[smem:$0x3FBB] =	sst s10  }
0x32: {  	s10 =	sld [smem:$0x3FB9];
	_ =	sdelay $0x3  }
0x33: {  	p0 =	seq.s32 s10, $0x1;
	s10 =	sld [smem:$0x3FBB];
	_ =	sdelay $0x3  }
0x34: {  	[smem:$0x3FBB] =	sst s10  }
0x35: {  	s10 =	sld [smem:$0x3FBA];
	_ =	sdelay $0x3  }
0x36: {  	p1 =	seq.s32 s10, $0x1;
	s10 =	sld [smem:$0x3FBB];
	_ =	sdelay $0x3  }
0x37: {  	[smem:$0x3FBB] =	sst s10  }
0x38: {  	s10 =	sld [smem:$0x3FBC]  }
0x39: {  	_ = 	snop;
	(pc) =	sbr.ind lr, $3  }
0x3a: {  	_ = 	snop  }
0x3b: {  	_ = 	snop  }
0x3c: {  	p2 =	seq.s32 s10, $0x1;
	s10 =	sld [smem:$0x3FBB]  }
0x3d: {  	_ =	shalt  }
0x3e: {  	_ =	shalt  }
0x3f: {  	_ =	shalt  }
0x40: {  	_ =	shalt  }
0x41: {  	_ =	shalt  }
0x42: {  	_ =	shalt  }
0x43: {  	_ =	shalt  }
0x44: {  	_ =	shalt  }
0x45: {  	_ =	shalt  }
0x46: {  	_ =	shalt  }
0x47: {  	_ =	shalt  }
0x48: {  	_ =	shalt  }
0x49: {  	_ =	shalt  }
0x4a: {  	_ =	shalt  }
0x4b: {  	_ =	shalt  }
0x4c: {  	_ =	shalt  }
0x4d: {  	_ =	shalt  }
0x4e: {  	_ =	shalt  }
0x4f: {  	_ =	shalt  }
0x50: {  	_ =	shalt  }
0x51: {  	_ =	shalt  }
0x52: {  	_ =	shalt  }
0x53: {  	_ =	shalt  }
0x54: {  	_ =	shalt  }
0x55: {  	_ =	shalt  }
0x56: {  	_ =	shalt  }
0x57: {  	_ =	shalt  }
0x58: {  	_ =	shalt  }
0x59: {  	_ =	shalt  }
0x5a: {  	_ =	shalt  }
0x5b: {  	_ =	shalt  }
0x5c: {  	_ =	shalt  }
0x5d: {  	_ =	shalt  }
0x5e: {  	_ =	shalt  }
0x5f: {  	_ =	shalt  }
0x60: {  	_ =	shalt  }
0x61: {  	_ =	shalt  }
0x62: {  	_ =	shalt  }
0x63: {  	_ =	shalt  }
0x64: {  	_ =	shalt  }
0x65: {  	_ =	shalt  }
0x66: {  	_ =	shalt  }
0x67: {  	_ =	shalt  }
0x68: {  	_ =	shalt  }
0x69: {  	_ =	shalt  }
0x6a: {  	_ =	shalt  }
0x6b: {  	_ =	shalt  }
0x6c: {  	_ =	shalt  }
0x6d: {  	_ =	shalt  }
0x6e: {  	_ =	shalt  }
0x6f: {  	_ =	shalt  }
0x70: {  	_ =	shalt  }
0x71: {  	_ =	shalt  }
0x72: {  	_ =	shalt  }
0x73: {  	_ =	shalt  }
0x74: {  	_ =	shalt  }
0x75: {  	_ =	shalt  }
0x76: {  	_ =	shalt  }
0x77: {  	_ =	shalt  }
0x78: {  	_ =	shalt  }
0x79: {  	_ =	shalt  }
0x7a: {  	_ =	shalt  }
0x7b: {  	_ =	shalt  }
0x7c: {  	_ =	shalt  }
0x7d: {  	_ =	shalt  }
0x7e: {  	_ =	shalt  }
0x7f: {  	_ =	shalt  }
0x80: {  	_ =	shalt  }
0x81: {  	_ =	shalt  }
0x82: {  	_ =	shalt  }
0x83: {  	_ =	shalt  }
0x84: {  	_ =	shalt  }
0x85: {  	_ =	shalt  }
0x86: {  	_ =	shalt  }
0x87: {  	_ =	shalt  }
.Lfunc_end0:
.L_simem_size_0:
called_computation_lowered:
.L_overlay_start_0:
0x88: {  	s2 =	sld [smem:$0x3FD9]  }
0x89: {  	s3 =	sld [smem:$0x3FFE];
	_ =	sdelay $0x1  }
0x8a: {  	s1 =	srdreg.scid  }
0x8b: {  	s0 =	sand.u32 $0x1, s1  }
0x8c: {  	s17 =	sshll.u32 s0, $0xA;
	s2 =	sadd.s32 s3, s2  }
0x8d: {  	s2 =	sadd.s32 s2, s17  }
0x8e: {  	[smem:$0x3FC7] =	sst s2  }
0x8f: {  	_ = 	snop  }
0x90: {  	s2 =	sld [smem:$0x3FC9]  }
0x91: {  	s18 =	sld [smem:$0x3FD0];
	(tm) =	ssettm $0x1  }
0x92: {  	s4 =	sld [smem:$0x3FFB];
	_ =	sdelay $0x3  }
0x93: {  	_ =	strace s4  }
0x94: {  	s4 =	sld [smem:$0x3FFC];
	_ =	sdelay $0x3  }
0x95: {  	_ =	strace s4  }
0x96: {  	s4 =	sld [smem:$0x3FFD];
	_ =	sdelay $0x3  }
0x97: {  	_ =	strace s4  }
0x98: {  	_ =	strace $0x8FFFFFFF  }
0x99: {  	s19 =	sld [smem:$0x3FDB];
	_ =	sdelay $0x1  }
0x9a: {  	s5 =	simm.s32 $_scs_section_size  }
0x9b: {  	s6 =	simm.s32 $_size__tile_overlayer_lowered;
	s7 =	simm.s32 $_tile_overlayer_lowered  }
0x9c: {  	s22 =	simm.s32 $0x1BFF;
	s21 =	sshll.u32 s7, $0x1;
	s4 =	sadd.s32 s5, s19  }
0x9d: {  	s8 =	simm.s32 $0x0;
	s20 =	sshll.u32 s6, $0x1;
	s6 =	sadd.s32 s21, s4  }
0x9e: {  	[timem:s8], [sflag:s22] =	dma.local [hbm:s6], s20  }
0x9f: {  	_ =	swait.ge [sflag:s22], s20  }
0xa0: {  	s5 =	ssub.s32 $0x0, s20;
	[sflag:s22] =	ssyncset.done $0x0  }
0xa1: {  	[sflag:s22] =	ssyncadd.s32 s5;
	_ =	sdelay $0x1  }
0xa2: {  	s23 =	simm.s32 $0x1B8B  }
0xa3: {  	_ =	swait.ge [sflag:s23], $0x1  }
0xa4: {  	[sflag:s23] =	ssyncset.done $0x0  }
0xa5: {  	s25 =	simm.s32 $0x1B8E;
	s24 =	sld [smem:$0x3FFE];
	[sflag:s23] =	ssyncadd.s32 $0xFFFFFFFF  }
0xa6: {  	s26 =	simm.s32 $execute0_lowered;
	[smem:$0x3FD2] =	sst s25  }
0xa7: {  	s6 =	sshll.u32 s26, $0x1;
	_ =	strace $0x80000046;
	[dreg:$0x1] =	wrdreg $0xFFFFFFFF  }
0xa8: {  	s28 =	simm.s32 $_size_execute0_lowered;
	s4 =	sadd.s32 s4, s6;
	[dreg:$0x0] =	wrdreg $0x0  }
0xa9: {  	s6 =	sshll.u32 s28, $0x1;
	[dreg:$0x2] =	wrdreg s4  }
0xaa: {  	[dreg:$0x3] =	wrdreg s6  }
0xab: {  	[dreg:$0x4] =	wrdreg $0xC0  }
0xac: {  	_ =	task [dreg:s8], $0x5FFFF  }
0xad: {  	[dreg:$0x1] =	wrdreg $0xFFFFFFFF  }
0xae: {  	[dreg:$0x0] =	wrdreg $0x60  }
0xaf: {  	[dreg:$0x2] =	wrdreg s2  }
0xb0: {  	[dreg:$0x3] =	wrdreg s24  }
0xb1: {  	[dreg:$0x4] =	wrdreg s18  }
0xb2: {  	[dreg:$0x5] =	wrdreg $0x9  }
0xb3: {  	_ =	task.clear_ibuf [dreg:s8], $0x6FFFF;
	_ =	strace $0x90000046  }
0xb4: {  	s29 =	simm.s32 $0x9;
	_ =	strace $0x80000048  }
0xb5: {  	_ =	swait.ge [sflag:s29], $0x1  }
0xb6: {  	[sflag:s29] =	ssyncadd.s32 $0xFFFFFFFF  }
0xb7: {  	_ =	strace $0x90000048  }
0xb8: {  	_ =	sfence  }
0xb9: {  	s30 =	sld [smem:$0x0];
	_ =	sdelay $0x2  }
0xba: {  	s31 =	sshll.u32 s1, $0xD;
	s1 =	sshrl.u32 s1, $0x2  }
0xbb: {  	s3 =	sand.u32 $0x4000, s31;
	s1 =	sadd.s32 s1, s30  }
0xbc: {  	s0 =	sor.u32 s3, s0;
	s1 =	sshll.u32 s1, $0x11  }
0xbd: {  	s0 =	sor.u32 s1, s0  }
0xbe: {  	s0 =	sadd.s32 $0x8F2B, s0  }
0xbf: {  	[sflag:s0] =	ssyncadd.remote.s32 $0x1  }
0xc0: {  	_ =	sfence.sel $0xFFFF  }
0xc1: {  	[dreg:$0x0] =	wrdreg $0xFFFFFFFF;
	(pc) =	sbr.abs _section_cstart, $3  }
0xc2: {  	[dreg:$0x1] =	wrdreg $0xFFFFFFFF  }
0xc3: {  	_ =	task.clear_ibuf [dreg:s8], $0x2FFFF;
	_ =	strace $0x9FFFFFFF  }
0xc4: {  	(tm) =	ssettm $0x7FFFFFFF  }
0xc5: {  	_ =	shalt  }
tec
execute0_lowered:
.L_overlay_start_1:
0x0: {  	(tag) =	ssettag $0x1  }
0x1: {  	s0 =	srdreg.scid  }
0x2: {  	s3 =	stileid.u32;
	s0 =	sand.u32 $0x1, s0  }
0x3: {  	s1 =	rddreg [dreg:$0x0];
	s5 =	sshll.u32 s3, $0xA;
	s6 =	sshll.u32 s0, $0x9  }
0x4: {  	s2 =	rddreg [dreg:$0x1];
	s5 =	sor.u32 s6, s5  }
0x5: {  	s4 =	rddreg [dreg:$0x2];
	s3 =	simm.s32 $0x0;
	s6 =	sshrl.u32 s5, $0x3  }
0x6: {  	[smem:$0x7FF] =	sst s3;
	s5 =	sshll.u32 s5, $0x7;
	s2 =	sadd.s32 s2, s6  }
0x7: {  	_ =	strace $0x80000047;
	s8 =	sadd.s32 s4, s5;
	[dreg:$0x4] =	wrdreg s2  }
0x8: {  	s13 =	sadd.s32 $0x1000, s8;
	[dreg:$0x14] =	wrdreg s8  }
0x9: {  	s14 =	sadd.s32 $0x2000, s8;
	[dreg:$0x5] =	wrdreg s13  }
0xa: {  	s15 =	sadd.s32 $0x3000, s8;
	[dreg:$0x6] =	wrdreg s14  }
0xb: {  	s16 =	sadd.s32 $0x4000, s8;
	[dreg:$0x7] =	wrdreg s15  }
0xc: {  	s9 =	simm.s32 $0x1;
	s17 =	sadd.s32 $0x5000, s8;
	[dreg:$0x8] =	wrdreg s16  }
0xd: {  	s29 =	simm.s32 $0x5;
	s18 =	sadd.s32 $0x6000, s8;
	[dreg:$0x9] =	wrdreg s17  }
0xe: {  	s30 =	simm.s32 $0x6;
	s19 =	sadd.s32 $0x7000, s8;
	[dreg:$0xa] =	wrdreg s18  }
0xf: {  	s7 =	sadd.s32 $0x300, s1;
	s20 =	sadd.s32 $0x8000, s8;
	[dreg:$0xb] =	wrdreg s19  }
0x10: {  	s0 =	ssub.s32 $0x2, s0;
	s21 =	sadd.s32 $0x9000, s8;
	[dreg:$0xc] =	wrdreg s20  }
0x11: {  	s23 =	sshrl.u32 s0, $0x1;
	s22 =	sadd.s32 $0xA000, s8;
	[dreg:$0xd] =	wrdreg s21  }
0x12: {  	s0 =	ssub.s32 s0, s23;
	s24 =	sadd.s32 $0xB000, s8;
	[dreg:$0xe] =	wrdreg s22  }
0x13: {  	s5 =	sadd.s32 $0x100, s1;
	s25 =	sadd.s32 $0xC000, s8;
	[dreg:$0xf] =	wrdreg s24  }
0x14: {  	s6 =	sadd.s32 $0x200, s1;
	s26 =	sadd.s32 $0xD000, s8;
	[dreg:$0x10] =	wrdreg s25  }
0x15: {  	v2 =	vlaneseq.u32;
	s4 =	simm.s32 $0x3;
	s28 =	sadd.s32 $0xE000, s8;
	[dreg:$0x11] =	wrdreg s26  }
0x16: {  	vm0 =	vmmov $0xffff;
	v1 =	vshrl.u32 v2, $0x3;
	s31 =	sadd.s32 $0xF000, s8;
	s8 =	smax.u32 s0, $0x1;
	[dreg:$0x12] =	wrdreg s28  }
0x17: {  	v0 =	vand.u32 $0x7, v2;
	v2 =	vor.u32 $0x8, v2;
	v1 =	vmul.u32 $0x8, v1;
	s0 =	simm.s32 $0x4;
	[dreg:$0x13] =	wrdreg s31;
	s17 =	simm.s32 $0x2  }
.LBB2_1:
0x18: {  	[dreg:$0x15] =	wrdreg s8  }
0x19: {  	s31 =	rddreg [dreg:$0x4];
	s10 =	simm.s32 $0x7  }
0x1a: {  	[tilespmem:s3], [sflag:$0x7] =	stream.linear.gather [hbm4b:s31+s3], $0x200, $0x38;
	[tilespmem:$0x18200] =	vst v63  }
0x1b: {  	_ =	swait.ge [sflag:s10], $0x200  }
0x1c: {  	[sflag:s10] =	ssyncset.done $0x0  }
0x1d: {  	[sflag:s10] =	ssyncadd.s32 $0xFFFFFE00  }
0x1e: {  	v3 =	vld [tilespmem:$0x0];
	_ =	sdelay $0x4  }
0x1f: {  	v4 =	vshll.u32 v3, $0x3  }
0x20: {  	v3 =	vand.u32 $0x7, v3;
	v4 =	vand.u32 $0xFFFFFFC0, v4  }
0x21: {  	v3 =	vor.u32 v3, v4  }
0x22: {  	v4 =	vperm.xlane v3, v0;
	_ =	sdelay $0x1  }
0x23: {  	v4 =	vadd.s32 v1, v4;
	_ =	sdelay $0x3  }
0x24: {  	s11 =	simm.s32 $0x200  }
0x25: {  	[tilespmem:s11], [sflag:$0x1] =	stream.indirect_vreg.gather [hbm4b:s1+s3], $0x80, v4, vm0, $0xb8;
	[tilespmem:$0x18200] =	vst v63  }
0x26: {  	v3 =	vperm.xlane v3, v2;
	s11 =	simm.s32 $0xA00  }
0x27: {  	[tilespmem:s11], [sflag:$0x1] =	stream.indirect_vreg.gather [hbm4b:s5+s3], $0x80, v4, vm0, $0xb8;
	[tilespmem:$0x18200] =	vst v63  }
0x28: {  	s12 =	simm.s32 $0x1200;
	v3 =	vadd.s32 v1, v3  }
0x29: {  	[tilespmem:s12], [sflag:$0x1] =	stream.indirect_vreg.gather [hbm4b:s6+s3], $0x80, v4, vm0, $0xb8;
	[tilespmem:$0x18200] =	vst v63  }
0x2a: {  	s13 =	simm.s32 $0x1A00  }
0x2b: {  	[tilespmem:s13], [sflag:$0x1] =	stream.indirect_vreg.gather [hbm4b:s7+s3], $0x80, v4, vm0, $0xb8;
	[tilespmem:$0x18200] =	vst v63  }
0x2c: {  	s14 =	simm.s32 $0x2200  }
0x2d: {  	[tilespmem:s14], [sflag:$0x1] =	stream.indirect_vreg.gather [hbm4b:s1+s3], $0x80, v3, vm0, $0xb8;
	[tilespmem:$0x18200] =	vst v63  }
0x2e: {  	s15 =	simm.s32 $0x2A00  }
0x2f: {  	[tilespmem:s15], [sflag:$0x1] =	stream.indirect_vreg.gather [hbm4b:s5+s3], $0x80, v3, vm0, $0xb8;
	[tilespmem:$0x18200] =	vst v63  }
0x30: {  	s16 =	simm.s32 $0x3200  }
0x31: {  	[tilespmem:s16], [sflag:$0x1] =	stream.indirect_vreg.gather [hbm4b:s6+s3], $0x80, v3, vm0, $0xb8;
	[tilespmem:$0x18200] =	vst v63  }
0x32: {  	s18 =	simm.s32 $0x3A00  }
0x33: {  	[tilespmem:s18], [sflag:$0x1] =	stream.indirect_vreg.gather [hbm4b:s7+s3], $0x80, v3, vm0, $0xb8;
	[tilespmem:$0x18200] =	vst v63  }
0x34: {  	v3 =	vld [tilespmem:$0x10];
	_ =	sdelay $0x4  }
0x35: {  	v33 =	vshll.u32 v3, $0x3  }
0x36: {  	v3 =	vand.u32 $0x7, v3;
	v4 =	vand.u32 $0xFFFFFFC0, v33  }
0x37: {  	v3 =	vor.u32 v3, v4  }
0x38: {  	v4 =	vperm.xlane v3, v0;
	_ =	sdelay $0x1  }
0x39: {  	v4 =	vadd.s32 v1, v4;
	_ =	sdelay $0x3  }
0x3a: {  	s19 =	simm.s32 $0x4200  }
0x3b: {  	[tilespmem:s19], [sflag:$0x1] =	stream.indirect_vreg.gather [hbm4b:s1+s3], $0x80, v4, vm0, $0xb8;
	[tilespmem:$0x18200] =	vst v63  }
0x3c: {  	s20 =	simm.s32 $0x4A00;
	v3 =	vperm.xlane v3, v2  }
0x3d: {  	[tilespmem:s20], [sflag:$0x1] =	stream.indirect_vreg.gather [hbm4b:s5+s3], $0x80, v4, vm0, $0xb8;
	[tilespmem:$0x18200] =	vst v63  }
0x3e: {  	s21 =	simm.s32 $0x5200;
	v3 =	vadd.s32 v1, v3  }
0x3f: {  	[tilespmem:s21], [sflag:$0x1] =	stream.indirect_vreg.gather [hbm4b:s6+s3], $0x80, v4, vm0, $0xb8;
	[tilespmem:$0x18200] =	vst v63  }
0x40: {  	s22 =	simm.s32 $0x5A00  }
0x41: {  	[tilespmem:s22], [sflag:$0x1] =	stream.indirect_vreg.gather [hbm4b:s7+s3], $0x80, v4, vm0, $0xb8;
	[tilespmem:$0x18200] =	vst v63  }
0x42: {  	s23 =	simm.s32 $0x6200  }
0x43: {  	[tilespmem:s23], [sflag:$0x1] =	stream.indirect_vreg.gather [hbm4b:s1+s3], $0x80, v3, vm0, $0xb8;
	[tilespmem:$0x18200] =	vst v63  }
0x44: {  	s24 =	simm.s32 $0x6A00  }
0x45: {  	[tilespmem:s24], [sflag:$0x1] =	stream.indirect_vreg.gather [hbm4b:s5+s3], $0x80, v3, vm0, $0xb8;
	[tilespmem:$0x18200] =	vst v63  }
0x46: {  	s25 =	simm.s32 $0x7200  }
0x47: {  	[tilespmem:s25], [sflag:$0x1] =	stream.indirect_vreg.gather [hbm4b:s6+s3], $0x80, v3, vm0, $0xb8;
	[tilespmem:$0x18200] =	vst v63  }
0x48: {  	s26 =	simm.s32 $0x7A00  }
0x49: {  	[tilespmem:s26], [sflag:$0x1] =	stream.indirect_vreg.gather [hbm4b:s7+s3], $0x80, v3, vm0, $0xb8;
	[tilespmem:$0x18200] =	vst v63  }
0x4a: {  	v3 =	vld [tilespmem:$0x20];
	_ =	sdelay $0x4  }
0x4b: {  	v34 =	vshll.u32 v3, $0x3  }
0x4c: {  	v3 =	vand.u32 $0x7, v3;
	v4 =	vand.u32 $0xFFFFFFC0, v34  }
0x4d: {  	v3 =	vor.u32 v3, v4  }
0x4e: {  	v4 =	vperm.xlane v3, v0;
	_ =	sdelay $0x1  }
0x4f: {  	v4 =	vadd.s32 v1, v4;
	_ =	sdelay $0x3  }
0x50: {  	s28 =	simm.s32 $0x8200  }
0x51: {  	[tilespmem:s28], [sflag:$0x2] =	stream.indirect_vreg.gather [hbm4b:s1+s3], $0x80, v4, vm0, $0xb8;
	[tilespmem:$0x18200] =	vst v63  }
0x52: {  	s31 =	simm.s32 $0x8A00;
	v3 =	vperm.xlane v3, v2  }
0x53: {  	[tilespmem:s31], [sflag:$0x2] =	stream.indirect_vreg.gather [hbm4b:s5+s3], $0x80, v4, vm0, $0xb8;
	[tilespmem:$0x18200] =	vst v63  }
0x54: {  	s10 =	simm.s32 $0x9200;
	v3 =	vadd.s32 v1, v3  }
0x55: {  	[tilespmem:s10], [sflag:$0x2] =	stream.indirect_vreg.gather [hbm4b:s6+s3], $0x80, v4, vm0, $0xb8;
	[tilespmem:$0x18200] =	vst v63  }
0x56: {  	s13 =	simm.s32 $0x9A00  }
0x57: {  	[tilespmem:s13], [sflag:$0x2] =	stream.indirect_vreg.gather [hbm4b:s7+s3], $0x80, v4, vm0, $0xb8;
	[tilespmem:$0x18200] =	vst v63  }
0x58: {  	s14 =	simm.s32 $0xA200  }
0x59: {  	[tilespmem:s14], [sflag:$0x2] =	stream.indirect_vreg.gather [hbm4b:s1+s3], $0x80, v3, vm0, $0xb8;
	[tilespmem:$0x18200] =	vst v63  }
0x5a: {  	s15 =	simm.s32 $0xAA00  }
0x5b: {  	[tilespmem:s15], [sflag:$0x2] =	stream.indirect_vreg.gather [hbm4b:s5+s3], $0x80, v3, vm0, $0xb8;
	[tilespmem:$0x18200] =	vst v63  }
0x5c: {  	s19 =	simm.s32 $0xB200  }
0x5d: {  	[tilespmem:s19], [sflag:$0x2] =	stream.indirect_vreg.gather [hbm4b:s6+s3], $0x80, v3, vm0, $0xb8;
	[tilespmem:$0x18200] =	vst v63  }
0x5e: {  	s20 =	simm.s32 $0xBA00  }
0x5f: {  	[tilespmem:s20], [sflag:$0x2] =	stream.indirect_vreg.gather [hbm4b:s7+s3], $0x80, v3, vm0, $0xb8;
	[tilespmem:$0x18200] =	vst v63  }
0x60: {  	v3 =	vld [tilespmem:$0x30];
	_ =	sdelay $0x4  }
0x61: {  	v35 =	vshll.u32 v3, $0x3  }
0x62: {  	v3 =	vand.u32 $0x7, v3;
	v4 =	vand.u32 $0xFFFFFFC0, v35  }
0x63: {  	v3 =	vor.u32 v3, v4  }
0x64: {  	v4 =	vperm.xlane v3, v0;
	_ =	sdelay $0x1  }
0x65: {  	v4 =	vadd.s32 v1, v4;
	_ =	sdelay $0x3  }
0x66: {  	s21 =	simm.s32 $0xC200  }
0x67: {  	[tilespmem:s21], [sflag:$0x2] =	stream.indirect_vreg.gather [hbm4b:s1+s3], $0x80, v4, vm0, $0xb8;
	[tilespmem:$0x18200] =	vst v63  }
0x68: {  	s25 =	simm.s32 $0xCA00;
	v3 =	vperm.xlane v3, v2  }
0x69: {  	[tilespmem:s25], [sflag:$0x2] =	stream.indirect_vreg.gather [hbm4b:s5+s3], $0x80, v4, vm0, $0xb8;
	[tilespmem:$0x18200] =	vst v63  }
0x6a: {  	s26 =	simm.s32 $0xD200;
	v3 =	vadd.s32 v1, v3  }
0x6b: {  	[tilespmem:s26], [sflag:$0x2] =	stream.indirect_vreg.gather [hbm4b:s6+s3], $0x80, v4, vm0, $0xb8;
	[tilespmem:$0x18200] =	vst v63  }
0x6c: {  	s28 =	simm.s32 $0xDA00  }
0x6d: {  	[tilespmem:s28], [sflag:$0x2] =	stream.indirect_vreg.gather [hbm4b:s7+s3], $0x80, v4, vm0, $0xb8;
	[tilespmem:$0x18200] =	vst v63  }
0x6e: {  	s31 =	simm.s32 $0xE200  }
0x6f: {  	[tilespmem:s31], [sflag:$0x2] =	stream.indirect_vreg.gather [hbm4b:s1+s3], $0x80, v3, vm0, $0xb8;
	[tilespmem:$0x18200] =	vst v63  }
0x70: {  	s10 =	simm.s32 $0xEA00  }
0x71: {  	[tilespmem:s10], [sflag:$0x2] =	stream.indirect_vreg.gather [hbm4b:s5+s3], $0x80, v3, vm0, $0xb8;
	[tilespmem:$0x18200] =	vst v63  }
0x72: {  	s13 =	simm.s32 $0xF200  }
0x73: {  	[tilespmem:s13], [sflag:$0x2] =	stream.indirect_vreg.gather [hbm4b:s6+s3], $0x80, v3, vm0, $0xb8;
	[tilespmem:$0x18200] =	vst v63  }
0x74: {  	s14 =	simm.s32 $0xFA00  }
0x75: {  	[tilespmem:s14], [sflag:$0x2] =	stream.indirect_vreg.gather [hbm4b:s7+s3], $0x80, v3, vm0, $0xb8;
	[tilespmem:$0x18200] =	vst v63  }
0x76: {  	_ =	swait.ge [sflag:s9], $0x8000  }
0x77: {  	[sflag:s9] =	ssyncset.done $0x0  }
0x78: {  	s10 =	simm.s32 $0x200;
	s15 =	rddreg [dreg:$0x14];
	[sflag:s9] =	ssyncadd.s32 $0xFFFF8000  }
0x79: {  	[hbm4b:s15+s3] =	stream.linear.scatter [tilespmem:s10], [sflag:$0x4], $0x8000, $0x38;
	[tilespmem:$0x18200] =	vst v63  }
0x7a: {  	v3 =	vld [tilespmem:$0x40];
	_ =	sdelay $0x4  }
0x7b: {  	v36 =	vshll.u32 v3, $0x3  }
0x7c: {  	v3 =	vand.u32 $0x7, v3;
	v4 =	vand.u32 $0xFFFFFFC0, v36  }
0x7d: {  	v3 =	vor.u32 v3, v4  }
0x7e: {  	v4 =	vperm.xlane v3, v0;
	_ =	sdelay $0x1  }
0x7f: {  	v4 =	vadd.s32 v1, v4;
	_ =	sdelay $0x3  }
0x80: {  	s13 =	simm.s32 $0x10200  }
0x81: {  	[tilespmem:s13], [sflag:$0x3] =	stream.indirect_vreg.gather [hbm4b:s1+s3], $0x80, v4, vm0, $0xb8;
	[tilespmem:$0x18200] =	vst v63  }
0x82: {  	s19 =	simm.s32 $0x10A00;
	v3 =	vperm.xlane v3, v2  }
0x83: {  	[tilespmem:s19], [sflag:$0x3] =	stream.indirect_vreg.gather [hbm4b:s5+s3], $0x80, v4, vm0, $0xb8;
	[tilespmem:$0x18200] =	vst v63  }
0x84: {  	s20 =	simm.s32 $0x11200;
	v3 =	vadd.s32 v1, v3  }
0x85: {  	[tilespmem:s20], [sflag:$0x3] =	stream.indirect_vreg.gather [hbm4b:s6+s3], $0x80, v4, vm0, $0xb8;
	[tilespmem:$0x18200] =	vst v63  }
0x86: {  	s25 =	simm.s32 $0x11A00  }
0x87: {  	[tilespmem:s25], [sflag:$0x3] =	stream.indirect_vreg.gather [hbm4b:s7+s3], $0x80, v4, vm0, $0xb8;
	[tilespmem:$0x18200] =	vst v63  }
0x88: {  	s26 =	simm.s32 $0x12200  }
0x89: {  	[tilespmem:s26], [sflag:$0x3] =	stream.indirect_vreg.gather [hbm4b:s1+s3], $0x80, v3, vm0, $0xb8;
	[tilespmem:$0x18200] =	vst v63  }
0x8a: {  	s28 =	simm.s32 $0x12A00  }
0x8b: {  	[tilespmem:s28], [sflag:$0x3] =	stream.indirect_vreg.gather [hbm4b:s5+s3], $0x80, v3, vm0, $0xb8;
	[tilespmem:$0x18200] =	vst v63  }
0x8c: {  	s31 =	simm.s32 $0x13200  }
0x8d: {  	[tilespmem:s31], [sflag:$0x3] =	stream.indirect_vreg.gather [hbm4b:s6+s3], $0x80, v3, vm0, $0xb8;
	[tilespmem:$0x18200] =	vst v63  }
0x8e: {  	s8 =	simm.s32 $0x13A00  }
0x8f: {  	[tilespmem:s8], [sflag:$0x3] =	stream.indirect_vreg.gather [hbm4b:s7+s3], $0x80, v3, vm0, $0xb8;
	[tilespmem:$0x18200] =	vst v63  }
0x90: {  	v3 =	vld [tilespmem:$0x50];
	_ =	sdelay $0x4  }
0x91: {  	v37 =	vshll.u32 v3, $0x3  }
0x92: {  	v3 =	vand.u32 $0x7, v3;
	v4 =	vand.u32 $0xFFFFFFC0, v37  }
0x93: {  	v3 =	vor.u32 v3, v4  }
0x94: {  	v4 =	vperm.xlane v3, v0;
	_ =	sdelay $0x1  }
0x95: {  	v4 =	vadd.s32 v1, v4;
	_ =	sdelay $0x3  }
0x96: {  	s14 =	simm.s32 $0x14200  }
0x97: {  	[tilespmem:s14], [sflag:$0x3] =	stream.indirect_vreg.gather [hbm4b:s1+s3], $0x80, v4, vm0, $0xb8;
	[tilespmem:$0x18200] =	vst v63  }
0x98: {  	s15 =	simm.s32 $0x14A00;
	v3 =	vperm.xlane v3, v2  }
0x99: {  	[tilespmem:s15], [sflag:$0x3] =	stream.indirect_vreg.gather [hbm4b:s5+s3], $0x80, v4, vm0, $0xb8;
	[tilespmem:$0x18200] =	vst v63  }
0x9a: {  	s19 =	simm.s32 $0x15200;
	v3 =	vadd.s32 v1, v3  }
0x9b: {  	[tilespmem:s19], [sflag:$0x3] =	stream.indirect_vreg.gather [hbm4b:s6+s3], $0x80, v4, vm0, $0xb8;
	[tilespmem:$0x18200] =	vst v63  }
0x9c: {  	s20 =	simm.s32 $0x15A00  }
0x9d: {  	[tilespmem:s20], [sflag:$0x3] =	stream.indirect_vreg.gather [hbm4b:s7+s3], $0x80, v4, vm0, $0xb8;
	[tilespmem:$0x18200] =	vst v63  }
0x9e: {  	s26 =	simm.s32 $0x16200  }
0x9f: {  	[tilespmem:s26], [sflag:$0x3] =	stream.indirect_vreg.gather [hbm4b:s1+s3], $0x80, v3, vm0, $0xb8;
	[tilespmem:$0x18200] =	vst v63  }
0xa0: {  	s31 =	simm.s32 $0x16A00  }
0xa1: {  	[tilespmem:s31], [sflag:$0x3] =	stream.indirect_vreg.gather [hbm4b:s5+s3], $0x80, v3, vm0, $0xb8;
	[tilespmem:$0x18200] =	vst v63  }
0xa2: {  	s8 =	simm.s32 $0x17200  }
0xa3: {  	[tilespmem:s8], [sflag:$0x3] =	stream.indirect_vreg.gather [hbm4b:s6+s3], $0x80, v3, vm0, $0xb8;
	[tilespmem:$0x18200] =	vst v63  }
0xa4: {  	s14 =	simm.s32 $0x17A00  }
0xa5: {  	[tilespmem:s14], [sflag:$0x3] =	stream.indirect_vreg.gather [hbm4b:s7+s3], $0x80, v3, vm0, $0xb8;
	[tilespmem:$0x18200] =	vst v63  }
0xa6: {  	_ =	swait.ge [sflag:s17], $0x8000  }
0xa7: {  	[sflag:s17] =	ssyncset.done $0x0  }
0xa8: {  	s8 =	simm.s32 $0x8200;
	s15 =	rddreg [dreg:$0x5];
	[sflag:s17] =	ssyncadd.s32 $0xFFFF8000  }
0xa9: {  	[hbm4b:s15+s3] =	stream.linear.scatter [tilespmem:s8], [sflag:$0x5], $0x8000, $0x38;
	[tilespmem:$0x18200] =	vst v63  }
0xaa: {  	_ =	swait.ge [sflag:s0], $0x8000  }
0xab: {  	[sflag:s0] =	ssyncset.done $0x0  }
0xac: {  	[sflag:s0] =	ssyncadd.s32 $0xFFFF8000  }
0xad: {  	v3 =	vld [tilespmem:$0x60];
	_ =	sdelay $0x4  }
0xae: {  	v38 =	vshll.u32 v3, $0x3  }
0xaf: {  	v3 =	vand.u32 $0x7, v3;
	v4 =	vand.u32 $0xFFFFFFC0, v38  }
0xb0: {  	v3 =	vor.u32 v3, v4  }
0xb1: {  	v4 =	vperm.xlane v3, v0;
	_ =	sdelay $0x1  }
0xb2: {  	v4 =	vadd.s32 v1, v4;
	_ =	sdelay $0x4  }
0xb3: {  	[tilespmem:s10], [sflag:$0x1] =	stream.indirect_vreg.gather [hbm4b:s1+s3], $0x80, v4, vm0, $0xb8;
	[tilespmem:$0x18200] =	vst v63  }
0xb4: {  	s2 =	simm.s32 $0xA00;
	v3 =	vperm.xlane v3, v2  }
0xb5: {  	[tilespmem:s2], [sflag:$0x1] =	stream.indirect_vreg.gather [hbm4b:s5+s3], $0x80, v4, vm0, $0xb8;
	[tilespmem:$0x18200] =	vst v63  }
0xb6: {  	s26 =	simm.s32 $0x1200;
	v3 =	vadd.s32 v1, v3  }
0xb7: {  	[tilespmem:s26], [sflag:$0x1] =	stream.indirect_vreg.gather [hbm4b:s6+s3], $0x80, v4, vm0, $0xb8;
	[tilespmem:$0x18200] =	vst v63  }
0xb8: {  	s19 =	simm.s32 $0x1A00  }
0xb9: {  	[tilespmem:s19], [sflag:$0x1] =	stream.indirect_vreg.gather [hbm4b:s7+s3], $0x80, v4, vm0, $0xb8;
	[tilespmem:$0x18200] =	vst v63  }
0xba: {  	s20 =	simm.s32 $0x2200  }
0xbb: {  	[tilespmem:s20], [sflag:$0x1] =	stream.indirect_vreg.gather [hbm4b:s1+s3], $0x80, v3, vm0, $0xb8;
	[tilespmem:$0x18200] =	vst v63  }
0xbc: {  	s31 =	simm.s32 $0x2A00  }
0xbd: {  	[tilespmem:s31], [sflag:$0x1] =	stream.indirect_vreg.gather [hbm4b:s5+s3], $0x80, v3, vm0, $0xb8;
	[tilespmem:$0x18200] =	vst v63  }
0xbe: {  	s13 =	simm.s32 $0x3200  }
0xbf: {  	[tilespmem:s13], [sflag:$0x1] =	stream.indirect_vreg.gather [hbm4b:s6+s3], $0x80, v3, vm0, $0xb8;
	[tilespmem:$0x18200] =	vst v63  }
0xc0: {  	s16 =	simm.s32 $0x3A00  }
0xc1: {  	[tilespmem:s16], [sflag:$0x1] =	stream.indirect_vreg.gather [hbm4b:s7+s3], $0x80, v3, vm0, $0xb8;
	[tilespmem:$0x18200] =	vst v63  }
0xc2: {  	v3 =	vld [tilespmem:$0x70];
	_ =	sdelay $0x4  }
0xc3: {  	v39 =	vshll.u32 v3, $0x3  }
0xc4: {  	v3 =	vand.u32 $0x7, v3;
	v4 =	vand.u32 $0xFFFFFFC0, v39  }
0xc5: {  	v3 =	vor.u32 v3, v4  }
0xc6: {  	v4 =	vperm.xlane v3, v0;
	_ =	sdelay $0x1  }
0xc7: {  	v4 =	vadd.s32 v1, v4;
	_ =	sdelay $0x3  }
0xc8: {  	s12 =	simm.s32 $0x4200  }
0xc9: {  	[tilespmem:s12], [sflag:$0x1] =	stream.indirect_vreg.gather [hbm4b:s1+s3], $0x80, v4, vm0, $0xb8;
	[tilespmem:$0x18200] =	vst v63  }
0xca: {  	s18 =	simm.s32 $0x4A00;
	v3 =	vperm.xlane v3, v2  }
0xcb: {  	[tilespmem:s18], [sflag:$0x1] =	stream.indirect_vreg.gather [hbm4b:s5+s3], $0x80, v4, vm0, $0xb8;
	[tilespmem:$0x18200] =	vst v63  }
0xcc: {  	s16 =	simm.s32 $0x5200;
	v3 =	vadd.s32 v1, v3  }
0xcd: {  	[tilespmem:s16], [sflag:$0x1] =	stream.indirect_vreg.gather [hbm4b:s6+s3], $0x80, v4, vm0, $0xb8;
	[tilespmem:$0x18200] =	vst v63  }
0xce: {  	s15 =	simm.s32 $0x5A00  }
0xcf: {  	[tilespmem:s15], [sflag:$0x1] =	stream.indirect_vreg.gather [hbm4b:s7+s3], $0x80, v4, vm0, $0xb8;
	[tilespmem:$0x18200] =	vst v63  }
0xd0: {  	s18 =	simm.s32 $0x6200  }
0xd1: {  	[tilespmem:s18], [sflag:$0x1] =	stream.indirect_vreg.gather [hbm4b:s1+s3], $0x80, v3, vm0, $0xb8;
	[tilespmem:$0x18200] =	vst v63  }
0xd2: {  	s19 =	simm.s32 $0x6A00  }
0xd3: {  	[tilespmem:s19], [sflag:$0x1] =	stream.indirect_vreg.gather [hbm4b:s5+s3], $0x80, v3, vm0, $0xb8;
	[tilespmem:$0x18200] =	vst v63  }
0xd4: {  	s20 =	simm.s32 $0x7200  }
0xd5: {  	[tilespmem:s20], [sflag:$0x1] =	stream.indirect_vreg.gather [hbm4b:s6+s3], $0x80, v3, vm0, $0xb8;
	[tilespmem:$0x18200] =	vst v63  }
0xd6: {  	s11 =	simm.s32 $0x7A00  }
0xd7: {  	[tilespmem:s11], [sflag:$0x1] =	stream.indirect_vreg.gather [hbm4b:s7+s3], $0x80, v3, vm0, $0xb8;
	[tilespmem:$0x18200] =	vst v63  }
0xd8: {  	_ =	swait.ge [sflag:s4], $0x8000  }
0xd9: {  	[sflag:s4] =	ssyncset.done $0x0  }
0xda: {  	s11 =	simm.s32 $0x10200;
	s14 =	rddreg [dreg:$0x6];
	[sflag:s4] =	ssyncadd.s32 $0xFFFF8000  }
0xdb: {  	[hbm4b:s14+s3] =	stream.linear.scatter [tilespmem:s11], [sflag:$0x6], $0x8000, $0x38;
	[tilespmem:$0x18200] =	vst v63  }
0xdc: {  	_ =	swait.ge [sflag:s29], $0x8000  }
0xdd: {  	[sflag:s29] =	ssyncset.done $0x0  }
0xde: {  	[sflag:s29] =	ssyncadd.s32 $0xFFFF8000  }
0xdf: {  	v3 =	vld [tilespmem:$0x80];
	_ =	sdelay $0x4  }
0xe0: {  	v40 =	vshll.u32 v3, $0x3  }
0xe1: {  	v3 =	vand.u32 $0x7, v3;
	v4 =	vand.u32 $0xFFFFFFC0, v40  }
0xe2: {  	v3 =	vor.u32 v3, v4  }
0xe3: {  	v4 =	vperm.xlane v3, v0;
	_ =	sdelay $0x1  }
0xe4: {  	v4 =	vadd.s32 v1, v4;
	_ =	sdelay $0x4  }
0xe5: {  	[tilespmem:s8], [sflag:$0x2] =	stream.indirect_vreg.gather [hbm4b:s1+s3], $0x80, v4, vm0, $0xb8;
	[tilespmem:$0x18200] =	vst v63  }
0xe6: {  	s31 =	simm.s32 $0x8A00;
	v3 =	vperm.xlane v3, v2  }
0xe7: {  	[tilespmem:s31], [sflag:$0x2] =	stream.indirect_vreg.gather [hbm4b:s5+s3], $0x80, v4, vm0, $0xb8;
	[tilespmem:$0x18200] =	vst v63  }
0xe8: {  	s22 =	simm.s32 $0x9200;
	v3 =	vadd.s32 v1, v3  }
0xe9: {  	[tilespmem:s22], [sflag:$0x2] =	stream.indirect_vreg.gather [hbm4b:s6+s3], $0x80, v4, vm0, $0xb8;
	[tilespmem:$0x18200] =	vst v63  }
0xea: {  	s23 =	simm.s32 $0x9A00  }
0xeb: {  	[tilespmem:s23], [sflag:$0x2] =	stream.indirect_vreg.gather [hbm4b:s7+s3], $0x80, v4, vm0, $0xb8;
	[tilespmem:$0x18200] =	vst v63  }
0xec: {  	s24 =	simm.s32 $0xA200  }
0xed: {  	[tilespmem:s24], [sflag:$0x2] =	stream.indirect_vreg.gather [hbm4b:s1+s3], $0x80, v3, vm0, $0xb8;
	[tilespmem:$0x18200] =	vst v63  }
0xee: {  	s14 =	simm.s32 $0xAA00  }
0xef: {  	[tilespmem:s14], [sflag:$0x2] =	stream.indirect_vreg.gather [hbm4b:s5+s3], $0x80, v3, vm0, $0xb8;
	[tilespmem:$0x18200] =	vst v63  }
0xf0: {  	s8 =	simm.s32 $0xB200  }
0xf1: {  	[tilespmem:s8], [sflag:$0x2] =	stream.indirect_vreg.gather [hbm4b:s6+s3], $0x80, v3, vm0, $0xb8;
	[tilespmem:$0x18200] =	vst v63  }
0xf2: {  	s12 =	simm.s32 $0xBA00  }
0xf3: {  	[tilespmem:s12], [sflag:$0x2] =	stream.indirect_vreg.gather [hbm4b:s7+s3], $0x80, v3, vm0, $0xb8;
	[tilespmem:$0x18200] =	vst v63  }
0xf4: {  	v3 =	vld [tilespmem:$0x90];
	_ =	sdelay $0x4  }
0xf5: {  	v41 =	vshll.u32 v3, $0x3  }
0xf6: {  	v3 =	vand.u32 $0x7, v3;
	v4 =	vand.u32 $0xFFFFFFC0, v41  }
0xf7: {  	v3 =	vor.u32 v3, v4  }
0xf8: {  	v4 =	vperm.xlane v3, v0;
	_ =	sdelay $0x1  }
0xf9: {  	v4 =	vadd.s32 v1, v4;
	_ =	sdelay $0x3  }
0xfa: {  	s22 =	simm.s32 $0xC200  }
0xfb: {  	[tilespmem:s22], [sflag:$0x2] =	stream.indirect_vreg.gather [hbm4b:s1+s3], $0x80, v4, vm0, $0xb8;
	[tilespmem:$0x18200] =	vst v63  }
0xfc: {  	s23 =	simm.s32 $0xCA00;
	v3 =	vperm.xlane v3, v2  }
0xfd: {  	[tilespmem:s23], [sflag:$0x2] =	stream.indirect_vreg.gather [hbm4b:s5+s3], $0x80, v4, vm0, $0xb8;
	[tilespmem:$0x18200] =	vst v63  }
0xfe: {  	s24 =	simm.s32 $0xD200;
	v3 =	vadd.s32 v1, v3  }
0xff: {  	[tilespmem:s24], [sflag:$0x2] =	stream.indirect_vreg.gather [hbm4b:s6+s3], $0x80, v4, vm0, $0xb8;
	[tilespmem:$0x18200] =	vst v63  }
0x100: {  	s31 =	simm.s32 $0xDA00  }
0x101: {  	[tilespmem:s31], [sflag:$0x2] =	stream.indirect_vreg.gather [hbm4b:s7+s3], $0x80, v4, vm0, $0xb8;
	[tilespmem:$0x18200] =	vst v63  }
0x102: {  	s8 =	simm.s32 $0xE200  }
0x103: {  	[tilespmem:s8], [sflag:$0x2] =	stream.indirect_vreg.gather [hbm4b:s1+s3], $0x80, v3, vm0, $0xb8;
	[tilespmem:$0x18200] =	vst v63  }
0x104: {  	s12 =	simm.s32 $0xEA00  }
0x105: {  	[tilespmem:s12], [sflag:$0x2] =	stream.indirect_vreg.gather [hbm4b:s5+s3], $0x80, v3, vm0, $0xb8;
	[tilespmem:$0x18200] =	vst v63  }
0x106: {  	s22 =	simm.s32 $0xF200  }
0x107: {  	[tilespmem:s22], [sflag:$0x2] =	stream.indirect_vreg.gather [hbm4b:s6+s3], $0x80, v3, vm0, $0xb8;
	[tilespmem:$0x18200] =	vst v63  }
0x108: {  	s23 =	simm.s32 $0xFA00  }
0x109: {  	[tilespmem:s23], [sflag:$0x2] =	stream.indirect_vreg.gather [hbm4b:s7+s3], $0x80, v3, vm0, $0xb8;
	[tilespmem:$0x18200] =	vst v63  }
0x10a: {  	_ =	swait.ge [sflag:s9], $0x8000  }
0x10b: {  	[sflag:s9] =	ssyncset.done $0x0  }
0x10c: {  	s10 =	simm.s32 $0x200;
	s24 =	rddreg [dreg:$0x7];
	[sflag:s9] =	ssyncadd.s32 $0xFFFF8000  }
0x10d: {  	[hbm4b:s24+s3] =	stream.linear.scatter [tilespmem:s10], [sflag:$0x4], $0x8000, $0x38;
	[tilespmem:$0x18200] =	vst v63  }
0x10e: {  	_ =	swait.ge [sflag:s30], $0x8000  }
0x10f: {  	[sflag:s30] =	ssyncset.done $0x0  }
0x110: {  	[sflag:s30] =	ssyncadd.s32 $0xFFFF8000  }
0x111: {  	v3 =	vld [tilespmem:$0xA0];
	_ =	sdelay $0x4  }
0x112: {  	v42 =	vshll.u32 v3, $0x3  }
0x113: {  	v3 =	vand.u32 $0x7, v3;
	v4 =	vand.u32 $0xFFFFFFC0, v42  }
0x114: {  	v3 =	vor.u32 v3, v4  }
0x115: {  	v4 =	vperm.xlane v3, v0;
	_ =	sdelay $0x1  }
0x116: {  	v4 =	vadd.s32 v1, v4;
	_ =	sdelay $0x4  }
0x117: {  	[tilespmem:s11], [sflag:$0x3] =	stream.indirect_vreg.gather [hbm4b:s1+s3], $0x80, v4, vm0, $0xb8;
	[tilespmem:$0x18200] =	vst v63  }
0x118: {  	s21 =	simm.s32 $0x10A00;
	v3 =	vperm.xlane v3, v2  }
0x119: {  	[tilespmem:s21], [sflag:$0x3] =	stream.indirect_vreg.gather [hbm4b:s5+s3], $0x80, v4, vm0, $0xb8;
	[tilespmem:$0x18200] =	vst v63  }
0x11a: {  	v3 =	vadd.s32 v1, v3;
	s11 =	simm.s32 $0x11200  }
0x11b: {  	[tilespmem:s11], [sflag:$0x3] =	stream.indirect_vreg.gather [hbm4b:s6+s3], $0x80, v4, vm0, $0xb8;
	[tilespmem:$0x18200] =	vst v63  }
0x11c: {  	s21 =	simm.s32 $0x11A00  }
0x11d: {  	[tilespmem:s21], [sflag:$0x3] =	stream.indirect_vreg.gather [hbm4b:s7+s3], $0x80, v4, vm0, $0xb8;
	[tilespmem:$0x18200] =	vst v63  }
0x11e: {  	s22 =	simm.s32 $0x12200  }
0x11f: {  	[tilespmem:s22], [sflag:$0x3] =	stream.indirect_vreg.gather [hbm4b:s1+s3], $0x80, v3, vm0, $0xb8;
	[tilespmem:$0x18200] =	vst v63  }
0x120: {  	s23 =	simm.s32 $0x12A00  }
0x121: {  	[tilespmem:s23], [sflag:$0x3] =	stream.indirect_vreg.gather [hbm4b:s5+s3], $0x80, v3, vm0, $0xb8;
	[tilespmem:$0x18200] =	vst v63  }
0x122: {  	s24 =	simm.s32 $0x13200  }
0x123: {  	[tilespmem:s24], [sflag:$0x3] =	stream.indirect_vreg.gather [hbm4b:s6+s3], $0x80, v3, vm0, $0xb8;
	[tilespmem:$0x18200] =	vst v63  }
0x124: {  	s25 =	simm.s32 $0x13A00  }
0x125: {  	[tilespmem:s25], [sflag:$0x3] =	stream.indirect_vreg.gather [hbm4b:s7+s3], $0x80, v3, vm0, $0xb8;
	[tilespmem:$0x18200] =	vst v63  }
0x126: {  	v3 =	vld [tilespmem:$0xB0];
	_ =	sdelay $0x4  }
0x127: {  	v43 =	vshll.u32 v3, $0x3  }
0x128: {  	v3 =	vand.u32 $0x7, v3;
	v4 =	vand.u32 $0xFFFFFFC0, v43  }
0x129: {  	v3 =	vor.u32 v3, v4  }
0x12a: {  	v4 =	vperm.xlane v3, v0;
	_ =	sdelay $0x1  }
0x12b: {  	v4 =	vadd.s32 v1, v4;
	_ =	sdelay $0x3  }
0x12c: {  	s28 =	simm.s32 $0x14200  }
0x12d: {  	[tilespmem:s28], [sflag:$0x3] =	stream.indirect_vreg.gather [hbm4b:s1+s3], $0x80, v4, vm0, $0xb8;
	[tilespmem:$0x18200] =	vst v63  }
0x12e: {  	s25 =	simm.s32 $0x14A00;
	v3 =	vperm.xlane v3, v2  }
0x12f: {  	[tilespmem:s25], [sflag:$0x3] =	stream.indirect_vreg.gather [hbm4b:s5+s3], $0x80, v4, vm0, $0xb8;
	[tilespmem:$0x18200] =	vst v63  }
0x130: {  	v3 =	vadd.s32 v1, v3;
	s25 =	simm.s32 $0x15200  }
0x131: {  	[tilespmem:s25], [sflag:$0x3] =	stream.indirect_vreg.gather [hbm4b:s6+s3], $0x80, v4, vm0, $0xb8;
	[tilespmem:$0x18200] =	vst v63  }
0x132: {  	s10 =	simm.s32 $0x15A00  }
0x133: {  	[tilespmem:s10], [sflag:$0x3] =	stream.indirect_vreg.gather [hbm4b:s7+s3], $0x80, v4, vm0, $0xb8;
	[tilespmem:$0x18200] =	vst v63  }
0x134: {  	s28 =	simm.s32 $0x16200  }
0x135: {  	[tilespmem:s28], [sflag:$0x3] =	stream.indirect_vreg.gather [hbm4b:s1+s3], $0x80, v3, vm0, $0xb8;
	[tilespmem:$0x18200] =	vst v63  }
0x136: {  	s28 =	simm.s32 $0x16A00  }
0x137: {  	[tilespmem:s28], [sflag:$0x3] =	stream.indirect_vreg.gather [hbm4b:s5+s3], $0x80, v3, vm0, $0xb8;
	[tilespmem:$0x18200] =	vst v63  }
0x138: {  	s31 =	simm.s32 $0x17200  }
0x139: {  	[tilespmem:s31], [sflag:$0x3] =	stream.indirect_vreg.gather [hbm4b:s6+s3], $0x80, v3, vm0, $0xb8;
	[tilespmem:$0x18200] =	vst v63  }
0x13a: {  	s31 =	simm.s32 $0x17A00  }
0x13b: {  	[tilespmem:s31], [sflag:$0x3] =	stream.indirect_vreg.gather [hbm4b:s7+s3], $0x80, v3, vm0, $0xb8;
	[tilespmem:$0x18200] =	vst v63  }
0x13c: {  	_ =	swait.ge [sflag:s17], $0x8000  }
0x13d: {  	[sflag:s17] =	ssyncset.done $0x0  }
0x13e: {  	s13 =	simm.s32 $0x8200;
	s12 =	rddreg [dreg:$0x8];
	[sflag:s17] =	ssyncadd.s32 $0xFFFF8000  }
0x13f: {  	[hbm4b:s12+s3] =	stream.linear.scatter [tilespmem:s13], [sflag:$0x5], $0x8000, $0x38;
	[tilespmem:$0x18200] =	vst v63  }
0x140: {  	_ =	swait.ge [sflag:s0], $0x8000  }
0x141: {  	[sflag:s0] =	ssyncset.done $0x0  }
0x142: {  	[sflag:s0] =	ssyncadd.s32 $0xFFFF8000  }
0x143: {  	v3 =	vld [tilespmem:$0xC0];
	_ =	sdelay $0x4  }
0x144: {  	v44 =	vshll.u32 v3, $0x3  }
0x145: {  	v3 =	vand.u32 $0x7, v3;
	v4 =	vand.u32 $0xFFFFFFC0, v44  }
0x146: {  	v3 =	vor.u32 v3, v4  }
0x147: {  	v4 =	vperm.xlane v3, v0;
	_ =	sdelay $0x1  }
0x148: {  	v4 =	vadd.s32 v1, v4;
	_ =	sdelay $0x3  }
0x149: {  	s2 =	simm.s32 $0x200  }
0x14a: {  	[tilespmem:s2], [sflag:$0x1] =	stream.indirect_vreg.gather [hbm4b:s1+s3], $0x80, v4, vm0, $0xb8;
	[tilespmem:$0x18200] =	vst v63  }
0x14b: {  	s31 =	simm.s32 $0xA00;
	v3 =	vperm.xlane v3, v2  }
0x14c: {  	[tilespmem:s31], [sflag:$0x1] =	stream.indirect_vreg.gather [hbm4b:s5+s3], $0x80, v4, vm0, $0xb8;
	[tilespmem:$0x18200] =	vst v63  }
0x14d: {  	v3 =	vadd.s32 v1, v3  }
0x14e: {  	[tilespmem:s26], [sflag:$0x1] =	stream.indirect_vreg.gather [hbm4b:s6+s3], $0x80, v4, vm0, $0xb8;
	[tilespmem:$0x18200] =	vst v63  }
0x14f: {  	s26 =	simm.s32 $0x1A00  }
0x150: {  	[tilespmem:s26], [sflag:$0x1] =	stream.indirect_vreg.gather [hbm4b:s7+s3], $0x80, v4, vm0, $0xb8;
	[tilespmem:$0x18200] =	vst v63  }
0x151: {  	s31 =	simm.s32 $0x2200  }
0x152: {  	[tilespmem:s31], [sflag:$0x1] =	stream.indirect_vreg.gather [hbm4b:s1+s3], $0x80, v3, vm0, $0xb8;
	[tilespmem:$0x18200] =	vst v63  }
0x153: {  	s26 =	simm.s32 $0x2A00  }
0x154: {  	[tilespmem:s26], [sflag:$0x1] =	stream.indirect_vreg.gather [hbm4b:s5+s3], $0x80, v3, vm0, $0xb8;
	[tilespmem:$0x18200] =	vst v63  }
0x155: {  	s31 =	simm.s32 $0x3200  }
0x156: {  	[tilespmem:s31], [sflag:$0x1] =	stream.indirect_vreg.gather [hbm4b:s6+s3], $0x80, v3, vm0, $0xb8;
	[tilespmem:$0x18200] =	vst v63  }
0x157: {  	s13 =	simm.s32 $0x3A00  }
0x158: {  	[tilespmem:s13], [sflag:$0x1] =	stream.indirect_vreg.gather [hbm4b:s7+s3], $0x80, v3, vm0, $0xb8;
	[tilespmem:$0x18200] =	vst v63  }
0x159: {  	v3 =	vld [tilespmem:$0xD0];
	_ =	sdelay $0x4  }
0x15a: {  	v45 =	vshll.u32 v3, $0x3  }
0x15b: {  	v3 =	vand.u32 $0x7, v3;
	v4 =	vand.u32 $0xFFFFFFC0, v45  }
0x15c: {  	v3 =	vor.u32 v3, v4  }
0x15d: {  	v4 =	vperm.xlane v3, v0;
	_ =	sdelay $0x1  }
0x15e: {  	v4 =	vadd.s32 v1, v4;
	_ =	sdelay $0x3  }
0x15f: {  	s26 =	simm.s32 $0x4200  }
0x160: {  	[tilespmem:s26], [sflag:$0x1] =	stream.indirect_vreg.gather [hbm4b:s1+s3], $0x80, v4, vm0, $0xb8;
	[tilespmem:$0x18200] =	vst v63  }
0x161: {  	s31 =	simm.s32 $0x4A00;
	v3 =	vperm.xlane v3, v2  }
0x162: {  	[tilespmem:s31], [sflag:$0x1] =	stream.indirect_vreg.gather [hbm4b:s5+s3], $0x80, v4, vm0, $0xb8;
	[tilespmem:$0x18200] =	vst v63  }
0x163: {  	v3 =	vadd.s32 v1, v3  }
0x164: {  	[tilespmem:s16], [sflag:$0x1] =	stream.indirect_vreg.gather [hbm4b:s6+s3], $0x80, v4, vm0, $0xb8;
	[tilespmem:$0x18200] =	vst v63  }
0x165: {  	_ = 	snop  }
0x166: {  	[tilespmem:s15], [sflag:$0x1] =	stream.indirect_vreg.gather [hbm4b:s7+s3], $0x80, v4, vm0, $0xb8;
	[tilespmem:$0x18200] =	vst v63  }
0x167: {  	_ = 	snop  }
0x168: {  	[tilespmem:s18], [sflag:$0x1] =	stream.indirect_vreg.gather [hbm4b:s1+s3], $0x80, v3, vm0, $0xb8;
	[tilespmem:$0x18200] =	vst v63  }
0x169: {  	_ = 	snop  }
0x16a: {  	[tilespmem:s19], [sflag:$0x1] =	stream.indirect_vreg.gather [hbm4b:s5+s3], $0x80, v3, vm0, $0xb8;
	[tilespmem:$0x18200] =	vst v63  }
0x16b: {  	_ = 	snop  }
0x16c: {  	[tilespmem:s20], [sflag:$0x1] =	stream.indirect_vreg.gather [hbm4b:s6+s3], $0x80, v3, vm0, $0xb8;
	[tilespmem:$0x18200] =	vst v63  }
0x16d: {  	s16 =	simm.s32 $0x7A00  }
0x16e: {  	[tilespmem:s16], [sflag:$0x1] =	stream.indirect_vreg.gather [hbm4b:s7+s3], $0x80, v3, vm0, $0xb8;
	[tilespmem:$0x18200] =	vst v63  }
0x16f: {  	_ =	swait.ge [sflag:s4], $0x8000  }
0x170: {  	[sflag:s4] =	ssyncset.done $0x0  }
0x171: {  	s8 =	simm.s32 $0x10200;
	s15 =	rddreg [dreg:$0x9];
	[sflag:s4] =	ssyncadd.s32 $0xFFFF8000  }
0x172: {  	[hbm4b:s15+s3] =	stream.linear.scatter [tilespmem:s8], [sflag:$0x6], $0x8000, $0x38;
	[tilespmem:$0x18200] =	vst v63  }
0x173: {  	_ =	swait.ge [sflag:s29], $0x8000  }
0x174: {  	[sflag:s29] =	ssyncset.done $0x0  }
0x175: {  	[sflag:s29] =	ssyncadd.s32 $0xFFFF8000  }
0x176: {  	v3 =	vld [tilespmem:$0xE0];
	_ =	sdelay $0x4  }
0x177: {  	v46 =	vshll.u32 v3, $0x3  }
0x178: {  	v3 =	vand.u32 $0x7, v3;
	v4 =	vand.u32 $0xFFFFFFC0, v46  }
0x179: {  	v3 =	vor.u32 v3, v4  }
0x17a: {  	v4 =	vperm.xlane v3, v0;
	_ =	sdelay $0x1  }
0x17b: {  	v4 =	vadd.s32 v1, v4;
	_ =	sdelay $0x3  }
0x17c: {  	s12 =	simm.s32 $0x8200  }
0x17d: {  	[tilespmem:s12], [sflag:$0x2] =	stream.indirect_vreg.gather [hbm4b:s1+s3], $0x80, v4, vm0, $0xb8;
	[tilespmem:$0x18200] =	vst v63  }
0x17e: {  	s18 =	simm.s32 $0x8A00;
	v3 =	vperm.xlane v3, v2  }
0x17f: {  	[tilespmem:s18], [sflag:$0x2] =	stream.indirect_vreg.gather [hbm4b:s5+s3], $0x80, v4, vm0, $0xb8;
	[tilespmem:$0x18200] =	vst v63  }
0x180: {  	s8 =	simm.s32 $0x9200;
	v3 =	vadd.s32 v1, v3  }
0x181: {  	[tilespmem:s8], [sflag:$0x2] =	stream.indirect_vreg.gather [hbm4b:s6+s3], $0x80, v4, vm0, $0xb8;
	[tilespmem:$0x18200] =	vst v63  }
0x182: {  	s15 =	simm.s32 $0x9A00  }
0x183: {  	[tilespmem:s15], [sflag:$0x2] =	stream.indirect_vreg.gather [hbm4b:s7+s3], $0x80, v4, vm0, $0xb8;
	[tilespmem:$0x18200] =	vst v63  }
0x184: {  	s18 =	simm.s32 $0xA200  }
0x185: {  	[tilespmem:s18], [sflag:$0x2] =	stream.indirect_vreg.gather [hbm4b:s1+s3], $0x80, v3, vm0, $0xb8;
	[tilespmem:$0x18200] =	vst v63  }
0x186: {  	_ = 	snop  }
0x187: {  	[tilespmem:s14], [sflag:$0x2] =	stream.indirect_vreg.gather [hbm4b:s5+s3], $0x80, v3, vm0, $0xb8;
	[tilespmem:$0x18200] =	vst v63  }
0x188: {  	s19 =	simm.s32 $0xB200  }
0x189: {  	[tilespmem:s19], [sflag:$0x2] =	stream.indirect_vreg.gather [hbm4b:s6+s3], $0x80, v3, vm0, $0xb8;
	[tilespmem:$0x18200] =	vst v63  }
0x18a: {  	s31 =	simm.s32 $0xBA00  }
0x18b: {  	[tilespmem:s31], [sflag:$0x2] =	stream.indirect_vreg.gather [hbm4b:s7+s3], $0x80, v3, vm0, $0xb8;
	[tilespmem:$0x18200] =	vst v63  }
0x18c: {  	v3 =	vld [tilespmem:$0xF0];
	_ =	sdelay $0x4  }
0x18d: {  	v47 =	vshll.u32 v3, $0x3  }
0x18e: {  	v3 =	vand.u32 $0x7, v3;
	v4 =	vand.u32 $0xFFFFFFC0, v47  }
0x18f: {  	v3 =	vor.u32 v3, v4  }
0x190: {  	v4 =	vperm.xlane v3, v0;
	_ =	sdelay $0x1  }
0x191: {  	v4 =	vadd.s32 v1, v4;
	_ =	sdelay $0x3  }
0x192: {  	s19 =	simm.s32 $0xC200  }
0x193: {  	[tilespmem:s19], [sflag:$0x2] =	stream.indirect_vreg.gather [hbm4b:s1+s3], $0x80, v4, vm0, $0xb8;
	[tilespmem:$0x18200] =	vst v63  }
0x194: {  	s31 =	simm.s32 $0xCA00;
	v3 =	vperm.xlane v3, v2  }
0x195: {  	[tilespmem:s31], [sflag:$0x2] =	stream.indirect_vreg.gather [hbm4b:s5+s3], $0x80, v4, vm0, $0xb8;
	[tilespmem:$0x18200] =	vst v63  }
0x196: {  	v3 =	vadd.s32 v1, v3;
	s19 =	simm.s32 $0xD200  }
0x197: {  	[tilespmem:s19], [sflag:$0x2] =	stream.indirect_vreg.gather [hbm4b:s6+s3], $0x80, v4, vm0, $0xb8;
	[tilespmem:$0x18200] =	vst v63  }
0x198: {  	s31 =	simm.s32 $0xDA00  }
0x199: {  	[tilespmem:s31], [sflag:$0x2] =	stream.indirect_vreg.gather [hbm4b:s7+s3], $0x80, v4, vm0, $0xb8;
	[tilespmem:$0x18200] =	vst v63  }
0x19a: {  	s19 =	simm.s32 $0xE200  }
0x19b: {  	[tilespmem:s19], [sflag:$0x2] =	stream.indirect_vreg.gather [hbm4b:s1+s3], $0x80, v3, vm0, $0xb8;
	[tilespmem:$0x18200] =	vst v63  }
0x19c: {  	s31 =	simm.s32 $0xEA00  }
0x19d: {  	[tilespmem:s31], [sflag:$0x2] =	stream.indirect_vreg.gather [hbm4b:s5+s3], $0x80, v3, vm0, $0xb8;
	[tilespmem:$0x18200] =	vst v63  }
0x19e: {  	s19 =	simm.s32 $0xF200  }
0x19f: {  	[tilespmem:s19], [sflag:$0x2] =	stream.indirect_vreg.gather [hbm4b:s6+s3], $0x80, v3, vm0, $0xb8;
	[tilespmem:$0x18200] =	vst v63  }
0x1a0: {  	s31 =	simm.s32 $0xFA00  }
0x1a1: {  	[tilespmem:s31], [sflag:$0x2] =	stream.indirect_vreg.gather [hbm4b:s7+s3], $0x80, v3, vm0, $0xb8;
	[tilespmem:$0x18200] =	vst v63  }
0x1a2: {  	_ =	swait.ge [sflag:s9], $0x8000  }
0x1a3: {  	[sflag:s9] =	ssyncset.done $0x0  }
0x1a4: {  	s2 =	simm.s32 $0x200;
	s19 =	rddreg [dreg:$0xa];
	[sflag:s9] =	ssyncadd.s32 $0xFFFF8000  }
0x1a5: {  	[hbm4b:s19+s3] =	stream.linear.scatter [tilespmem:s2], [sflag:$0x4], $0x8000, $0x38;
	[tilespmem:$0x18200] =	vst v63  }
0x1a6: {  	_ =	swait.ge [sflag:s30], $0x8000  }
0x1a7: {  	[sflag:s30] =	ssyncset.done $0x0  }
0x1a8: {  	[sflag:s30] =	ssyncadd.s32 $0xFFFF8000  }
0x1a9: {  	v3 =	vld [tilespmem:$0x100];
	_ =	sdelay $0x4  }
0x1aa: {  	v48 =	vshll.u32 v3, $0x3  }
0x1ab: {  	v3 =	vand.u32 $0x7, v3;
	v4 =	vand.u32 $0xFFFFFFC0, v48  }
0x1ac: {  	v3 =	vor.u32 v3, v4  }
0x1ad: {  	v4 =	vperm.xlane v3, v0;
	_ =	sdelay $0x1  }
0x1ae: {  	v4 =	vadd.s32 v1, v4;
	_ =	sdelay $0x3  }
0x1af: {  	s20 =	simm.s32 $0x10200  }
0x1b0: {  	[tilespmem:s20], [sflag:$0x3] =	stream.indirect_vreg.gather [hbm4b:s1+s3], $0x80, v4, vm0, $0xb8;
	[tilespmem:$0x18200] =	vst v63  }
0x1b1: {  	s14 =	simm.s32 $0x10A00;
	v3 =	vperm.xlane v3, v2  }
0x1b2: {  	[tilespmem:s14], [sflag:$0x3] =	stream.indirect_vreg.gather [hbm4b:s5+s3], $0x80, v4, vm0, $0xb8;
	[tilespmem:$0x18200] =	vst v63  }
0x1b3: {  	v3 =	vadd.s32 v1, v3  }
0x1b4: {  	[tilespmem:s11], [sflag:$0x3] =	stream.indirect_vreg.gather [hbm4b:s6+s3], $0x80, v4, vm0, $0xb8;
	[tilespmem:$0x18200] =	vst v63  }
0x1b5: {  	_ = 	snop  }
0x1b6: {  	[tilespmem:s21], [sflag:$0x3] =	stream.indirect_vreg.gather [hbm4b:s7+s3], $0x80, v4, vm0, $0xb8;
	[tilespmem:$0x18200] =	vst v63  }
0x1b7: {  	_ = 	snop  }
0x1b8: {  	[tilespmem:s22], [sflag:$0x3] =	stream.indirect_vreg.gather [hbm4b:s1+s3], $0x80, v3, vm0, $0xb8;
	[tilespmem:$0x18200] =	vst v63  }
0x1b9: {  	_ = 	snop  }
0x1ba: {  	[tilespmem:s23], [sflag:$0x3] =	stream.indirect_vreg.gather [hbm4b:s5+s3], $0x80, v3, vm0, $0xb8;
	[tilespmem:$0x18200] =	vst v63  }
0x1bb: {  	_ = 	snop  }
0x1bc: {  	[tilespmem:s24], [sflag:$0x3] =	stream.indirect_vreg.gather [hbm4b:s6+s3], $0x80, v3, vm0, $0xb8;
	[tilespmem:$0x18200] =	vst v63  }
0x1bd: {  	s31 =	simm.s32 $0x13A00  }
0x1be: {  	[tilespmem:s31], [sflag:$0x3] =	stream.indirect_vreg.gather [hbm4b:s7+s3], $0x80, v3, vm0, $0xb8;
	[tilespmem:$0x18200] =	vst v63  }
0x1bf: {  	v3 =	vld [tilespmem:$0x110];
	_ =	sdelay $0x4  }
0x1c0: {  	v49 =	vshll.u32 v3, $0x3  }
0x1c1: {  	v3 =	vand.u32 $0x7, v3;
	v4 =	vand.u32 $0xFFFFFFC0, v49  }
0x1c2: {  	v3 =	vor.u32 v3, v4  }
0x1c3: {  	v4 =	vperm.xlane v3, v0;
	_ =	sdelay $0x1  }
0x1c4: {  	v4 =	vadd.s32 v1, v4;
	_ =	sdelay $0x3  }
0x1c5: {  	s21 =	simm.s32 $0x14200  }
0x1c6: {  	[tilespmem:s21], [sflag:$0x3] =	stream.indirect_vreg.gather [hbm4b:s1+s3], $0x80, v4, vm0, $0xb8;
	[tilespmem:$0x18200] =	vst v63  }
0x1c7: {  	s31 =	simm.s32 $0x14A00;
	v3 =	vperm.xlane v3, v2  }
0x1c8: {  	[tilespmem:s31], [sflag:$0x3] =	stream.indirect_vreg.gather [hbm4b:s5+s3], $0x80, v4, vm0, $0xb8;
	[tilespmem:$0x18200] =	vst v63  }
0x1c9: {  	v3 =	vadd.s32 v1, v3  }
0x1ca: {  	[tilespmem:s25], [sflag:$0x3] =	stream.indirect_vreg.gather [hbm4b:s6+s3], $0x80, v4, vm0, $0xb8;
	[tilespmem:$0x18200] =	vst v63  }
0x1cb: {  	_ = 	snop  }
0x1cc: {  	[tilespmem:s10], [sflag:$0x3] =	stream.indirect_vreg.gather [hbm4b:s7+s3], $0x80, v4, vm0, $0xb8;
	[tilespmem:$0x18200] =	vst v63  }
0x1cd: {  	s21 =	simm.s32 $0x16200  }
0x1ce: {  	[tilespmem:s21], [sflag:$0x3] =	stream.indirect_vreg.gather [hbm4b:s1+s3], $0x80, v3, vm0, $0xb8;
	[tilespmem:$0x18200] =	vst v63  }
0x1cf: {  	_ = 	snop  }
0x1d0: {  	[tilespmem:s28], [sflag:$0x3] =	stream.indirect_vreg.gather [hbm4b:s5+s3], $0x80, v3, vm0, $0xb8;
	[tilespmem:$0x18200] =	vst v63  }
0x1d1: {  	s28 =	simm.s32 $0x17200  }
0x1d2: {  	[tilespmem:s28], [sflag:$0x3] =	stream.indirect_vreg.gather [hbm4b:s6+s3], $0x80, v3, vm0, $0xb8;
	[tilespmem:$0x18200] =	vst v63  }
0x1d3: {  	s31 =	simm.s32 $0x17A00  }
0x1d4: {  	[tilespmem:s31], [sflag:$0x3] =	stream.indirect_vreg.gather [hbm4b:s7+s3], $0x80, v3, vm0, $0xb8;
	[tilespmem:$0x18200] =	vst v63  }
0x1d5: {  	_ =	swait.ge [sflag:s17], $0x8000  }
0x1d6: {  	[sflag:s17] =	ssyncset.done $0x0  }
0x1d7: {  	s12 =	simm.s32 $0x8200;
	s21 =	rddreg [dreg:$0xb];
	[sflag:s17] =	ssyncadd.s32 $0xFFFF8000  }
0x1d8: {  	[hbm4b:s21+s3] =	stream.linear.scatter [tilespmem:s12], [sflag:$0x5], $0x8000, $0x38;
	[tilespmem:$0x18200] =	vst v63  }
0x1d9: {  	_ =	swait.ge [sflag:s0], $0x8000  }
0x1da: {  	[sflag:s0] =	ssyncset.done $0x0  }
0x1db: {  	[sflag:s0] =	ssyncadd.s32 $0xFFFF8000  }
0x1dc: {  	v3 =	vld [tilespmem:$0x120];
	_ =	sdelay $0x4  }
0x1dd: {  	v50 =	vshll.u32 v3, $0x3  }
0x1de: {  	v3 =	vand.u32 $0x7, v3;
	v4 =	vand.u32 $0xFFFFFFC0, v50  }
0x1df: {  	v3 =	vor.u32 v3, v4  }
0x1e0: {  	v4 =	vperm.xlane v3, v0;
	_ =	sdelay $0x1  }
0x1e1: {  	v4 =	vadd.s32 v1, v4;
	_ =	sdelay $0x3  }
0x1e2: {  	s19 =	simm.s32 $0x200  }
0x1e3: {  	[tilespmem:s19], [sflag:$0x1] =	stream.indirect_vreg.gather [hbm4b:s1+s3], $0x80, v4, vm0, $0xb8;
	[tilespmem:$0x18200] =	vst v63  }
0x1e4: {  	s28 =	simm.s32 $0xA00;
	v3 =	vperm.xlane v3, v2  }
0x1e5: {  	[tilespmem:s28], [sflag:$0x1] =	stream.indirect_vreg.gather [hbm4b:s5+s3], $0x80, v4, vm0, $0xb8;
	[tilespmem:$0x18200] =	vst v63  }
0x1e6: {  	s31 =	simm.s32 $0x1200;
	v3 =	vadd.s32 v1, v3  }
0x1e7: {  	[tilespmem:s31], [sflag:$0x1] =	stream.indirect_vreg.gather [hbm4b:s6+s3], $0x80, v4, vm0, $0xb8;
	[tilespmem:$0x18200] =	vst v63  }
0x1e8: {  	s31 =	simm.s32 $0x1A00  }
0x1e9: {  	[tilespmem:s31], [sflag:$0x1] =	stream.indirect_vreg.gather [hbm4b:s7+s3], $0x80, v4, vm0, $0xb8;
	[tilespmem:$0x18200] =	vst v63  }
0x1ea: {  	s31 =	simm.s32 $0x2200  }
0x1eb: {  	[tilespmem:s31], [sflag:$0x1] =	stream.indirect_vreg.gather [hbm4b:s1+s3], $0x80, v3, vm0, $0xb8;
	[tilespmem:$0x18200] =	vst v63  }
0x1ec: {  	s31 =	simm.s32 $0x2A00  }
0x1ed: {  	[tilespmem:s31], [sflag:$0x1] =	stream.indirect_vreg.gather [hbm4b:s5+s3], $0x80, v3, vm0, $0xb8;
	[tilespmem:$0x18200] =	vst v63  }
0x1ee: {  	s31 =	simm.s32 $0x3200  }
0x1ef: {  	[tilespmem:s31], [sflag:$0x1] =	stream.indirect_vreg.gather [hbm4b:s6+s3], $0x80, v3, vm0, $0xb8;
	[tilespmem:$0x18200] =	vst v63  }
0x1f0: {  	_ = 	snop  }
0x1f1: {  	[tilespmem:s13], [sflag:$0x1] =	stream.indirect_vreg.gather [hbm4b:s7+s3], $0x80, v3, vm0, $0xb8;
	[tilespmem:$0x18200] =	vst v63  }
0x1f2: {  	v3 =	vld [tilespmem:$0x130];
	_ =	sdelay $0x4  }
0x1f3: {  	v51 =	vshll.u32 v3, $0x3  }
0x1f4: {  	v3 =	vand.u32 $0x7, v3;
	v4 =	vand.u32 $0xFFFFFFC0, v51  }
0x1f5: {  	v3 =	vor.u32 v3, v4  }
0x1f6: {  	v4 =	vperm.xlane v3, v0;
	_ =	sdelay $0x1  }
0x1f7: {  	v4 =	vadd.s32 v1, v4;
	_ =	sdelay $0x4  }
0x1f8: {  	[tilespmem:s26], [sflag:$0x1] =	stream.indirect_vreg.gather [hbm4b:s1+s3], $0x80, v4, vm0, $0xb8;
	[tilespmem:$0x18200] =	vst v63  }
0x1f9: {  	v3 =	vperm.xlane v3, v2;
	s26 =	simm.s32 $0x4A00  }
0x1fa: {  	[tilespmem:s26], [sflag:$0x1] =	stream.indirect_vreg.gather [hbm4b:s5+s3], $0x80, v4, vm0, $0xb8;
	[tilespmem:$0x18200] =	vst v63  }
0x1fb: {  	s31 =	simm.s32 $0x5200;
	v3 =	vadd.s32 v1, v3  }
0x1fc: {  	[tilespmem:s31], [sflag:$0x1] =	stream.indirect_vreg.gather [hbm4b:s6+s3], $0x80, v4, vm0, $0xb8;
	[tilespmem:$0x18200] =	vst v63  }
0x1fd: {  	s26 =	simm.s32 $0x5A00  }
0x1fe: {  	[tilespmem:s26], [sflag:$0x1] =	stream.indirect_vreg.gather [hbm4b:s7+s3], $0x80, v4, vm0, $0xb8;
	[tilespmem:$0x18200] =	vst v63  }
0x1ff: {  	s31 =	simm.s32 $0x6200  }
0x200: {  	[tilespmem:s31], [sflag:$0x1] =	stream.indirect_vreg.gather [hbm4b:s1+s3], $0x80, v3, vm0, $0xb8;
	[tilespmem:$0x18200] =	vst v63  }
0x201: {  	s26 =	simm.s32 $0x6A00  }
0x202: {  	[tilespmem:s26], [sflag:$0x1] =	stream.indirect_vreg.gather [hbm4b:s5+s3], $0x80, v3, vm0, $0xb8;
	[tilespmem:$0x18200] =	vst v63  }
0x203: {  	s31 =	simm.s32 $0x7200  }
0x204: {  	[tilespmem:s31], [sflag:$0x1] =	stream.indirect_vreg.gather [hbm4b:s6+s3], $0x80, v3, vm0, $0xb8;
	[tilespmem:$0x18200] =	vst v63  }
0x205: {  	_ = 	snop  }
0x206: {  	[tilespmem:s16], [sflag:$0x1] =	stream.indirect_vreg.gather [hbm4b:s7+s3], $0x80, v3, vm0, $0xb8;
	[tilespmem:$0x18200] =	vst v63  }
0x207: {  	_ =	swait.ge [sflag:s4], $0x8000  }
0x208: {  	[sflag:s4] =	ssyncset.done $0x0  }
0x209: {  	s26 =	rddreg [dreg:$0xc];
	[sflag:s4] =	ssyncadd.s32 $0xFFFF8000  }
0x20a: {  	[hbm4b:s26+s3] =	stream.linear.scatter [tilespmem:s20], [sflag:$0x6], $0x8000, $0x38;
	[tilespmem:$0x18200] =	vst v63  }
0x20b: {  	_ =	swait.ge [sflag:s29], $0x8000  }
0x20c: {  	[sflag:s29] =	ssyncset.done $0x0  }
0x20d: {  	[sflag:s29] =	ssyncadd.s32 $0xFFFF8000  }
0x20e: {  	v3 =	vld [tilespmem:$0x140];
	_ =	sdelay $0x4  }
0x20f: {  	v52 =	vshll.u32 v3, $0x3  }
0x210: {  	v3 =	vand.u32 $0x7, v3;
	v4 =	vand.u32 $0xFFFFFFC0, v52  }
0x211: {  	v3 =	vor.u32 v3, v4  }
0x212: {  	v4 =	vperm.xlane v3, v0;
	_ =	sdelay $0x1  }
0x213: {  	v4 =	vadd.s32 v1, v4;
	_ =	sdelay $0x4  }
0x214: {  	[tilespmem:s12], [sflag:$0x2] =	stream.indirect_vreg.gather [hbm4b:s1+s3], $0x80, v4, vm0, $0xb8;
	[tilespmem:$0x18200] =	vst v63  }
0x215: {  	v3 =	vperm.xlane v3, v2;
	s12 =	simm.s32 $0x8A00  }
0x216: {  	[tilespmem:s12], [sflag:$0x2] =	stream.indirect_vreg.gather [hbm4b:s5+s3], $0x80, v4, vm0, $0xb8;
	[tilespmem:$0x18200] =	vst v63  }
0x217: {  	v3 =	vadd.s32 v1, v3  }
0x218: {  	[tilespmem:s8], [sflag:$0x2] =	stream.indirect_vreg.gather [hbm4b:s6+s3], $0x80, v4, vm0, $0xb8;
	[tilespmem:$0x18200] =	vst v63  }
0x219: {  	_ = 	snop  }
0x21a: {  	[tilespmem:s15], [sflag:$0x2] =	stream.indirect_vreg.gather [hbm4b:s7+s3], $0x80, v4, vm0, $0xb8;
	[tilespmem:$0x18200] =	vst v63  }
0x21b: {  	_ = 	snop  }
0x21c: {  	[tilespmem:s18], [sflag:$0x2] =	stream.indirect_vreg.gather [hbm4b:s1+s3], $0x80, v3, vm0, $0xb8;
	[tilespmem:$0x18200] =	vst v63  }
0x21d: {  	s16 =	simm.s32 $0xAA00  }
0x21e: {  	[tilespmem:s16], [sflag:$0x2] =	stream.indirect_vreg.gather [hbm4b:s5+s3], $0x80, v3, vm0, $0xb8;
	[tilespmem:$0x18200] =	vst v63  }
0x21f: {  	s26 =	simm.s32 $0xB200  }
0x220: {  	[tilespmem:s26], [sflag:$0x2] =	stream.indirect_vreg.gather [hbm4b:s6+s3], $0x80, v3, vm0, $0xb8;
	[tilespmem:$0x18200] =	vst v63  }
0x221: {  	s31 =	simm.s32 $0xBA00  }
0x222: {  	[tilespmem:s31], [sflag:$0x2] =	stream.indirect_vreg.gather [hbm4b:s7+s3], $0x80, v3, vm0, $0xb8;
	[tilespmem:$0x18200] =	vst v63  }
0x223: {  	v3 =	vld [tilespmem:$0x150];
	_ =	sdelay $0x4  }
0x224: {  	v53 =	vshll.u32 v3, $0x3  }
0x225: {  	v3 =	vand.u32 $0x7, v3;
	v4 =	vand.u32 $0xFFFFFFC0, v53  }
0x226: {  	v3 =	vor.u32 v3, v4  }
0x227: {  	v4 =	vperm.xlane v3, v0;
	_ =	sdelay $0x1  }
0x228: {  	v4 =	vadd.s32 v1, v4;
	_ =	sdelay $0x3  }
0x229: {  	s12 =	simm.s32 $0xC200  }
0x22a: {  	[tilespmem:s12], [sflag:$0x2] =	stream.indirect_vreg.gather [hbm4b:s1+s3], $0x80, v4, vm0, $0xb8;
	[tilespmem:$0x18200] =	vst v63  }
0x22b: {  	s13 =	simm.s32 $0xCA00;
	v3 =	vperm.xlane v3, v2  }
0x22c: {  	[tilespmem:s13], [sflag:$0x2] =	stream.indirect_vreg.gather [hbm4b:s5+s3], $0x80, v4, vm0, $0xb8;
	[tilespmem:$0x18200] =	vst v63  }
0x22d: {  	s15 =	simm.s32 $0xD200;
	v3 =	vadd.s32 v1, v3  }
0x22e: {  	[tilespmem:s15], [sflag:$0x2] =	stream.indirect_vreg.gather [hbm4b:s6+s3], $0x80, v4, vm0, $0xb8;
	[tilespmem:$0x18200] =	vst v63  }
0x22f: {  	s16 =	simm.s32 $0xDA00  }
0x230: {  	[tilespmem:s16], [sflag:$0x2] =	stream.indirect_vreg.gather [hbm4b:s7+s3], $0x80, v4, vm0, $0xb8;
	[tilespmem:$0x18200] =	vst v63  }
0x231: {  	s26 =	simm.s32 $0xE200  }
0x232: {  	[tilespmem:s26], [sflag:$0x2] =	stream.indirect_vreg.gather [hbm4b:s1+s3], $0x80, v3, vm0, $0xb8;
	[tilespmem:$0x18200] =	vst v63  }
0x233: {  	s31 =	simm.s32 $0xEA00  }
0x234: {  	[tilespmem:s31], [sflag:$0x2] =	stream.indirect_vreg.gather [hbm4b:s5+s3], $0x80, v3, vm0, $0xb8;
	[tilespmem:$0x18200] =	vst v63  }
0x235: {  	s12 =	simm.s32 $0xF200  }
0x236: {  	[tilespmem:s12], [sflag:$0x2] =	stream.indirect_vreg.gather [hbm4b:s6+s3], $0x80, v3, vm0, $0xb8;
	[tilespmem:$0x18200] =	vst v63  }
0x237: {  	s13 =	simm.s32 $0xFA00  }
0x238: {  	[tilespmem:s13], [sflag:$0x2] =	stream.indirect_vreg.gather [hbm4b:s7+s3], $0x80, v3, vm0, $0xb8;
	[tilespmem:$0x18200] =	vst v63  }
0x239: {  	_ =	swait.ge [sflag:s9], $0x8000  }
0x23a: {  	[sflag:s9] =	ssyncset.done $0x0  }
0x23b: {  	s15 =	rddreg [dreg:$0xd];
	[sflag:s9] =	ssyncadd.s32 $0xFFFF8000  }
0x23c: {  	[hbm4b:s15+s3] =	stream.linear.scatter [tilespmem:s19], [sflag:$0x4], $0x8000, $0x38;
	[tilespmem:$0x18200] =	vst v63  }
0x23d: {  	_ =	swait.ge [sflag:s30], $0x8000  }
0x23e: {  	[sflag:s30] =	ssyncset.done $0x0  }
0x23f: {  	[sflag:s30] =	ssyncadd.s32 $0xFFFF8000  }
0x240: {  	v3 =	vld [tilespmem:$0x160];
	_ =	sdelay $0x4  }
0x241: {  	v54 =	vshll.u32 v3, $0x3  }
0x242: {  	v3 =	vand.u32 $0x7, v3;
	v4 =	vand.u32 $0xFFFFFFC0, v54  }
0x243: {  	v3 =	vor.u32 v3, v4  }
0x244: {  	v4 =	vperm.xlane v3, v0;
	_ =	sdelay $0x1  }
0x245: {  	v4 =	vadd.s32 v1, v4;
	_ =	sdelay $0x4  }
0x246: {  	[tilespmem:s20], [sflag:$0x3] =	stream.indirect_vreg.gather [hbm4b:s1+s3], $0x80, v4, vm0, $0xb8;
	[tilespmem:$0x18200] =	vst v63  }
0x247: {  	s16 =	simm.s32 $0x10A00;
	v3 =	vperm.xlane v3, v2  }
0x248: {  	[tilespmem:s16], [sflag:$0x3] =	stream.indirect_vreg.gather [hbm4b:s5+s3], $0x80, v4, vm0, $0xb8;
	[tilespmem:$0x18200] =	vst v63  }
0x249: {  	s14 =	simm.s32 $0x11200;
	v3 =	vadd.s32 v1, v3  }
0x24a: {  	[tilespmem:s14], [sflag:$0x3] =	stream.indirect_vreg.gather [hbm4b:s6+s3], $0x80, v4, vm0, $0xb8;
	[tilespmem:$0x18200] =	vst v63  }
0x24b: {  	s2 =	simm.s32 $0x11A00  }
0x24c: {  	[tilespmem:s2], [sflag:$0x3] =	stream.indirect_vreg.gather [hbm4b:s7+s3], $0x80, v4, vm0, $0xb8;
	[tilespmem:$0x18200] =	vst v63  }
0x24d: {  	s22 =	simm.s32 $0x12200  }
0x24e: {  	[tilespmem:s22], [sflag:$0x3] =	stream.indirect_vreg.gather [hbm4b:s1+s3], $0x80, v3, vm0, $0xb8;
	[tilespmem:$0x18200] =	vst v63  }
0x24f: {  	s23 =	simm.s32 $0x12A00  }
0x250: {  	[tilespmem:s23], [sflag:$0x3] =	stream.indirect_vreg.gather [hbm4b:s5+s3], $0x80, v3, vm0, $0xb8;
	[tilespmem:$0x18200] =	vst v63  }
0x251: {  	s24 =	simm.s32 $0x13200  }
0x252: {  	[tilespmem:s24], [sflag:$0x3] =	stream.indirect_vreg.gather [hbm4b:s6+s3], $0x80, v3, vm0, $0xb8;
	[tilespmem:$0x18200] =	vst v63  }
0x253: {  	s24 =	simm.s32 $0x13A00  }
0x254: {  	[tilespmem:s24], [sflag:$0x3] =	stream.indirect_vreg.gather [hbm4b:s7+s3], $0x80, v3, vm0, $0xb8;
	[tilespmem:$0x18200] =	vst v63  }
0x255: {  	v3 =	vld [tilespmem:$0x170];
	_ =	sdelay $0x4  }
0x256: {  	v55 =	vshll.u32 v3, $0x3  }
0x257: {  	v3 =	vand.u32 $0x7, v3;
	v4 =	vand.u32 $0xFFFFFFC0, v55  }
0x258: {  	v3 =	vor.u32 v3, v4  }
0x259: {  	v4 =	vperm.xlane v3, v0;
	_ =	sdelay $0x1  }
0x25a: {  	v4 =	vadd.s32 v1, v4;
	_ =	sdelay $0x3  }
0x25b: {  	s26 =	simm.s32 $0x14200  }
0x25c: {  	[tilespmem:s26], [sflag:$0x3] =	stream.indirect_vreg.gather [hbm4b:s1+s3], $0x80, v4, vm0, $0xb8;
	[tilespmem:$0x18200] =	vst v63  }
0x25d: {  	s31 =	simm.s32 $0x14A00;
	v3 =	vperm.xlane v3, v2  }
0x25e: {  	[tilespmem:s31], [sflag:$0x3] =	stream.indirect_vreg.gather [hbm4b:s5+s3], $0x80, v4, vm0, $0xb8;
	[tilespmem:$0x18200] =	vst v63  }
0x25f: {  	s25 =	simm.s32 $0x15200;
	v3 =	vadd.s32 v1, v3  }
0x260: {  	[tilespmem:s25], [sflag:$0x3] =	stream.indirect_vreg.gather [hbm4b:s6+s3], $0x80, v4, vm0, $0xb8;
	[tilespmem:$0x18200] =	vst v63  }
0x261: {  	s2 =	simm.s32 $0x15A00  }
0x262: {  	[tilespmem:s2], [sflag:$0x3] =	stream.indirect_vreg.gather [hbm4b:s7+s3], $0x80, v4, vm0, $0xb8;
	[tilespmem:$0x18200] =	vst v63  }
0x263: {  	s11 =	simm.s32 $0x16200  }
0x264: {  	[tilespmem:s11], [sflag:$0x3] =	stream.indirect_vreg.gather [hbm4b:s1+s3], $0x80, v3, vm0, $0xb8;
	[tilespmem:$0x18200] =	vst v63  }
0x265: {  	s10 =	simm.s32 $0x16A00  }
0x266: {  	[tilespmem:s10], [sflag:$0x3] =	stream.indirect_vreg.gather [hbm4b:s5+s3], $0x80, v3, vm0, $0xb8;
	[tilespmem:$0x18200] =	vst v63  }
0x267: {  	s8 =	simm.s32 $0x17200  }
0x268: {  	[tilespmem:s8], [sflag:$0x3] =	stream.indirect_vreg.gather [hbm4b:s6+s3], $0x80, v3, vm0, $0xb8;
	[tilespmem:$0x18200] =	vst v63  }
0x269: {  	s10 =	simm.s32 $0x17A00  }
0x26a: {  	[tilespmem:s10], [sflag:$0x3] =	stream.indirect_vreg.gather [hbm4b:s7+s3], $0x80, v3, vm0, $0xb8;
	[tilespmem:$0x18200] =	vst v63  }
0x26b: {  	_ =	swait.ge [sflag:s17], $0x8000  }
0x26c: {  	[sflag:s17] =	ssyncset.done $0x0  }
0x26d: {  	s15 =	simm.s32 $0x8200;
	s11 =	rddreg [dreg:$0xe];
	[sflag:s17] =	ssyncadd.s32 $0xFFFF8000  }
0x26e: {  	[hbm4b:s11+s3] =	stream.linear.scatter [tilespmem:s15], [sflag:$0x5], $0x8000, $0x38;
	[tilespmem:$0x18200] =	vst v63  }
0x26f: {  	_ =	swait.ge [sflag:s0], $0x8000  }
0x270: {  	[sflag:s0] =	ssyncset.done $0x0  }
0x271: {  	[sflag:s0] =	ssyncadd.s32 $0xFFFF8000  }
0x272: {  	v3 =	vld [tilespmem:$0x180];
	_ =	sdelay $0x4  }
0x273: {  	v56 =	vshll.u32 v3, $0x3  }
0x274: {  	v3 =	vand.u32 $0x7, v3;
	v4 =	vand.u32 $0xFFFFFFC0, v56  }
0x275: {  	v3 =	vor.u32 v3, v4  }
0x276: {  	v4 =	vperm.xlane v3, v0;
	_ =	sdelay $0x1  }
0x277: {  	v4 =	vadd.s32 v1, v4;
	_ =	sdelay $0x4  }
0x278: {  	[tilespmem:s19], [sflag:$0x1] =	stream.indirect_vreg.gather [hbm4b:s1+s3], $0x80, v4, vm0, $0xb8;
	[tilespmem:$0x18200] =	vst v63  }
0x279: {  	s21 =	simm.s32 $0xA00;
	v3 =	vperm.xlane v3, v2  }
0x27a: {  	[tilespmem:s21], [sflag:$0x1] =	stream.indirect_vreg.gather [hbm4b:s5+s3], $0x80, v4, vm0, $0xb8;
	[tilespmem:$0x18200] =	vst v63  }
0x27b: {  	s12 =	simm.s32 $0x1200;
	v3 =	vadd.s32 v1, v3  }
0x27c: {  	[tilespmem:s12], [sflag:$0x1] =	stream.indirect_vreg.gather [hbm4b:s6+s3], $0x80, v4, vm0, $0xb8;
	[tilespmem:$0x18200] =	vst v63  }
0x27d: {  	s13 =	simm.s32 $0x1A00  }
0x27e: {  	[tilespmem:s13], [sflag:$0x1] =	stream.indirect_vreg.gather [hbm4b:s7+s3], $0x80, v4, vm0, $0xb8;
	[tilespmem:$0x18200] =	vst v63  }
0x27f: {  	s14 =	simm.s32 $0x2200  }
0x280: {  	[tilespmem:s14], [sflag:$0x1] =	stream.indirect_vreg.gather [hbm4b:s1+s3], $0x80, v3, vm0, $0xb8;
	[tilespmem:$0x18200] =	vst v63  }
0x281: {  	s16 =	simm.s32 $0x2A00  }
0x282: {  	[tilespmem:s16], [sflag:$0x1] =	stream.indirect_vreg.gather [hbm4b:s5+s3], $0x80, v3, vm0, $0xb8;
	[tilespmem:$0x18200] =	vst v63  }
0x283: {  	s21 =	simm.s32 $0x3200  }
0x284: {  	[tilespmem:s21], [sflag:$0x1] =	stream.indirect_vreg.gather [hbm4b:s6+s3], $0x80, v3, vm0, $0xb8;
	[tilespmem:$0x18200] =	vst v63  }
0x285: {  	s28 =	simm.s32 $0x3A00  }
0x286: {  	[tilespmem:s28], [sflag:$0x1] =	stream.indirect_vreg.gather [hbm4b:s7+s3], $0x80, v3, vm0, $0xb8;
	[tilespmem:$0x18200] =	vst v63  }
0x287: {  	v3 =	vld [tilespmem:$0x190];
	_ =	sdelay $0x4  }
0x288: {  	v57 =	vshll.u32 v3, $0x3  }
0x289: {  	v3 =	vand.u32 $0x7, v3;
	v4 =	vand.u32 $0xFFFFFFC0, v57  }
0x28a: {  	v3 =	vor.u32 v3, v4  }
0x28b: {  	v4 =	vperm.xlane v3, v0;
	_ =	sdelay $0x1  }
0x28c: {  	v4 =	vadd.s32 v1, v4;
	_ =	sdelay $0x3  }
0x28d: {  	s31 =	simm.s32 $0x4200  }
0x28e: {  	[tilespmem:s31], [sflag:$0x1] =	stream.indirect_vreg.gather [hbm4b:s1+s3], $0x80, v4, vm0, $0xb8;
	[tilespmem:$0x18200] =	vst v63  }
0x28f: {  	s16 =	simm.s32 $0x4A00;
	v3 =	vperm.xlane v3, v2  }
0x290: {  	[tilespmem:s16], [sflag:$0x1] =	stream.indirect_vreg.gather [hbm4b:s5+s3], $0x80, v4, vm0, $0xb8;
	[tilespmem:$0x18200] =	vst v63  }
0x291: {  	s10 =	simm.s32 $0x5200;
	v3 =	vadd.s32 v1, v3  }
0x292: {  	[tilespmem:s10], [sflag:$0x1] =	stream.indirect_vreg.gather [hbm4b:s6+s3], $0x80, v4, vm0, $0xb8;
	[tilespmem:$0x18200] =	vst v63  }
0x293: {  	s11 =	simm.s32 $0x5A00  }
0x294: {  	[tilespmem:s11], [sflag:$0x1] =	stream.indirect_vreg.gather [hbm4b:s7+s3], $0x80, v4, vm0, $0xb8;
	[tilespmem:$0x18200] =	vst v63  }
0x295: {  	s12 =	simm.s32 $0x6200  }
0x296: {  	[tilespmem:s12], [sflag:$0x1] =	stream.indirect_vreg.gather [hbm4b:s1+s3], $0x80, v3, vm0, $0xb8;
	[tilespmem:$0x18200] =	vst v63  }
0x297: {  	s13 =	simm.s32 $0x6A00  }
0x298: {  	[tilespmem:s13], [sflag:$0x1] =	stream.indirect_vreg.gather [hbm4b:s5+s3], $0x80, v3, vm0, $0xb8;
	[tilespmem:$0x18200] =	vst v63  }
0x299: {  	s14 =	simm.s32 $0x7200  }
0x29a: {  	[tilespmem:s14], [sflag:$0x1] =	stream.indirect_vreg.gather [hbm4b:s6+s3], $0x80, v3, vm0, $0xb8;
	[tilespmem:$0x18200] =	vst v63  }
0x29b: {  	s8 =	simm.s32 $0x7A00  }
0x29c: {  	[tilespmem:s8], [sflag:$0x1] =	stream.indirect_vreg.gather [hbm4b:s7+s3], $0x80, v3, vm0, $0xb8;
	[tilespmem:$0x18200] =	vst v63  }
0x29d: {  	_ =	swait.ge [sflag:s4], $0x8000  }
0x29e: {  	[sflag:s4] =	ssyncset.done $0x0  }
0x29f: {  	s2 =	rddreg [dreg:$0xf];
	[sflag:s4] =	ssyncadd.s32 $0xFFFF8000  }
0x2a0: {  	[hbm4b:s2+s3] =	stream.linear.scatter [tilespmem:s20], [sflag:$0x6], $0x8000, $0x38;
	[tilespmem:$0x18200] =	vst v63  }
0x2a1: {  	_ =	swait.ge [sflag:s29], $0x8000  }
0x2a2: {  	[sflag:s29] =	ssyncset.done $0x0  }
0x2a3: {  	[sflag:s29] =	ssyncadd.s32 $0xFFFF8000  }
0x2a4: {  	v3 =	vld [tilespmem:$0x1A0];
	_ =	sdelay $0x4  }
0x2a5: {  	v58 =	vshll.u32 v3, $0x3  }
0x2a6: {  	v3 =	vand.u32 $0x7, v3;
	v4 =	vand.u32 $0xFFFFFFC0, v58  }
0x2a7: {  	v3 =	vor.u32 v3, v4  }
0x2a8: {  	v4 =	vperm.xlane v3, v0;
	_ =	sdelay $0x1  }
0x2a9: {  	v4 =	vadd.s32 v1, v4;
	_ =	sdelay $0x4  }
0x2aa: {  	[tilespmem:s15], [sflag:$0x2] =	stream.indirect_vreg.gather [hbm4b:s1+s3], $0x80, v4, vm0, $0xb8;
	[tilespmem:$0x18200] =	vst v63  }
0x2ab: {  	s31 =	simm.s32 $0x8A00;
	v3 =	vperm.xlane v3, v2  }
0x2ac: {  	[tilespmem:s31], [sflag:$0x2] =	stream.indirect_vreg.gather [hbm4b:s5+s3], $0x80, v4, vm0, $0xb8;
	[tilespmem:$0x18200] =	vst v63  }
0x2ad: {  	v3 =	vadd.s32 v1, v3;
	s31 =	simm.s32 $0x9200  }
0x2ae: {  	[tilespmem:s31], [sflag:$0x2] =	stream.indirect_vreg.gather [hbm4b:s6+s3], $0x80, v4, vm0, $0xb8;
	[tilespmem:$0x18200] =	vst v63  }
0x2af: {  	s31 =	simm.s32 $0x9A00  }
0x2b0: {  	[tilespmem:s31], [sflag:$0x2] =	stream.indirect_vreg.gather [hbm4b:s7+s3], $0x80, v4, vm0, $0xb8;
	[tilespmem:$0x18200] =	vst v63  }
0x2b1: {  	s18 =	simm.s32 $0xA200  }
0x2b2: {  	[tilespmem:s18], [sflag:$0x2] =	stream.indirect_vreg.gather [hbm4b:s1+s3], $0x80, v3, vm0, $0xb8;
	[tilespmem:$0x18200] =	vst v63  }
0x2b3: {  	s31 =	simm.s32 $0xAA00  }
0x2b4: {  	[tilespmem:s31], [sflag:$0x2] =	stream.indirect_vreg.gather [hbm4b:s5+s3], $0x80, v3, vm0, $0xb8;
	[tilespmem:$0x18200] =	vst v63  }
0x2b5: {  	s18 =	simm.s32 $0xB200  }
0x2b6: {  	[tilespmem:s18], [sflag:$0x2] =	stream.indirect_vreg.gather [hbm4b:s6+s3], $0x80, v3, vm0, $0xb8;
	[tilespmem:$0x18200] =	vst v63  }
0x2b7: {  	s31 =	simm.s32 $0xBA00  }
0x2b8: {  	[tilespmem:s31], [sflag:$0x2] =	stream.indirect_vreg.gather [hbm4b:s7+s3], $0x80, v3, vm0, $0xb8;
	[tilespmem:$0x18200] =	vst v63  }
0x2b9: {  	v3 =	vld [tilespmem:$0x1B0];
	_ =	sdelay $0x4  }
0x2ba: {  	v59 =	vshll.u32 v3, $0x3  }
0x2bb: {  	v3 =	vand.u32 $0x7, v3;
	v4 =	vand.u32 $0xFFFFFFC0, v59  }
0x2bc: {  	v3 =	vor.u32 v3, v4  }
0x2bd: {  	v4 =	vperm.xlane v3, v0;
	_ =	sdelay $0x1  }
0x2be: {  	v4 =	vadd.s32 v1, v4;
	_ =	sdelay $0x3  }
0x2bf: {  	s18 =	simm.s32 $0xC200  }
0x2c0: {  	[tilespmem:s18], [sflag:$0x2] =	stream.indirect_vreg.gather [hbm4b:s1+s3], $0x80, v4, vm0, $0xb8;
	[tilespmem:$0x18200] =	vst v63  }
0x2c1: {  	s31 =	simm.s32 $0xCA00;
	v3 =	vperm.xlane v3, v2  }
0x2c2: {  	[tilespmem:s31], [sflag:$0x2] =	stream.indirect_vreg.gather [hbm4b:s5+s3], $0x80, v4, vm0, $0xb8;
	[tilespmem:$0x18200] =	vst v63  }
0x2c3: {  	v3 =	vadd.s32 v1, v3;
	s18 =	simm.s32 $0xD200  }
0x2c4: {  	[tilespmem:s18], [sflag:$0x2] =	stream.indirect_vreg.gather [hbm4b:s6+s3], $0x80, v4, vm0, $0xb8;
	[tilespmem:$0x18200] =	vst v63  }
0x2c5: {  	s31 =	simm.s32 $0xDA00  }
0x2c6: {  	[tilespmem:s31], [sflag:$0x2] =	stream.indirect_vreg.gather [hbm4b:s7+s3], $0x80, v4, vm0, $0xb8;
	[tilespmem:$0x18200] =	vst v63  }
0x2c7: {  	s18 =	simm.s32 $0xE200  }
0x2c8: {  	[tilespmem:s18], [sflag:$0x2] =	stream.indirect_vreg.gather [hbm4b:s1+s3], $0x80, v3, vm0, $0xb8;
	[tilespmem:$0x18200] =	vst v63  }
0x2c9: {  	s31 =	simm.s32 $0xEA00  }
0x2ca: {  	[tilespmem:s31], [sflag:$0x2] =	stream.indirect_vreg.gather [hbm4b:s5+s3], $0x80, v3, vm0, $0xb8;
	[tilespmem:$0x18200] =	vst v63  }
0x2cb: {  	s18 =	simm.s32 $0xF200  }
0x2cc: {  	[tilespmem:s18], [sflag:$0x2] =	stream.indirect_vreg.gather [hbm4b:s6+s3], $0x80, v3, vm0, $0xb8;
	[tilespmem:$0x18200] =	vst v63  }
0x2cd: {  	s31 =	simm.s32 $0xFA00  }
0x2ce: {  	[tilespmem:s31], [sflag:$0x2] =	stream.indirect_vreg.gather [hbm4b:s7+s3], $0x80, v3, vm0, $0xb8;
	[tilespmem:$0x18200] =	vst v63  }
0x2cf: {  	_ =	swait.ge [sflag:s9], $0x8000  }
0x2d0: {  	[sflag:s9] =	ssyncset.done $0x0  }
0x2d1: {  	s18 =	rddreg [dreg:$0x10];
	[sflag:s9] =	ssyncadd.s32 $0xFFFF8000  }
0x2d2: {  	[hbm4b:s18+s3] =	stream.linear.scatter [tilespmem:s19], [sflag:$0x4], $0x8000, $0x38;
	[tilespmem:$0x18200] =	vst v63  }
0x2d3: {  	_ =	swait.ge [sflag:s30], $0x8000  }
0x2d4: {  	[sflag:s30] =	ssyncset.done $0x0  }
0x2d5: {  	[sflag:s30] =	ssyncadd.s32 $0xFFFF8000  }
0x2d6: {  	v3 =	vld [tilespmem:$0x1C0];
	_ =	sdelay $0x4  }
0x2d7: {  	v60 =	vshll.u32 v3, $0x3  }
0x2d8: {  	v3 =	vand.u32 $0x7, v3;
	v4 =	vand.u32 $0xFFFFFFC0, v60  }
0x2d9: {  	v3 =	vor.u32 v3, v4  }
0x2da: {  	v4 =	vperm.xlane v3, v0;
	_ =	sdelay $0x1  }
0x2db: {  	v4 =	vadd.s32 v1, v4;
	_ =	sdelay $0x4  }
0x2dc: {  	[tilespmem:s20], [sflag:$0x3] =	stream.indirect_vreg.gather [hbm4b:s1+s3], $0x80, v4, vm0, $0xb8;
	[tilespmem:$0x18200] =	vst v63  }
0x2dd: {  	s31 =	simm.s32 $0x10A00;
	v3 =	vperm.xlane v3, v2  }
0x2de: {  	[tilespmem:s31], [sflag:$0x3] =	stream.indirect_vreg.gather [hbm4b:s5+s3], $0x80, v4, vm0, $0xb8;
	[tilespmem:$0x18200] =	vst v63  }
0x2df: {  	s18 =	simm.s32 $0x11200;
	v3 =	vadd.s32 v1, v3  }
0x2e0: {  	[tilespmem:s18], [sflag:$0x3] =	stream.indirect_vreg.gather [hbm4b:s6+s3], $0x80, v4, vm0, $0xb8;
	[tilespmem:$0x18200] =	vst v63  }
0x2e1: {  	s31 =	simm.s32 $0x11A00  }
0x2e2: {  	[tilespmem:s31], [sflag:$0x3] =	stream.indirect_vreg.gather [hbm4b:s7+s3], $0x80, v4, vm0, $0xb8;
	[tilespmem:$0x18200] =	vst v63  }
0x2e3: {  	s18 =	simm.s32 $0x12200  }
0x2e4: {  	[tilespmem:s18], [sflag:$0x3] =	stream.indirect_vreg.gather [hbm4b:s1+s3], $0x80, v3, vm0, $0xb8;
	[tilespmem:$0x18200] =	vst v63  }
0x2e5: {  	s22 =	simm.s32 $0x12A00  }
0x2e6: {  	[tilespmem:s22], [sflag:$0x3] =	stream.indirect_vreg.gather [hbm4b:s5+s3], $0x80, v3, vm0, $0xb8;
	[tilespmem:$0x18200] =	vst v63  }
0x2e7: {  	s23 =	simm.s32 $0x13200  }
0x2e8: {  	[tilespmem:s23], [sflag:$0x3] =	stream.indirect_vreg.gather [hbm4b:s6+s3], $0x80, v3, vm0, $0xb8;
	[tilespmem:$0x18200] =	vst v63  }
0x2e9: {  	s31 =	simm.s32 $0x13A00  }
0x2ea: {  	[tilespmem:s31], [sflag:$0x3] =	stream.indirect_vreg.gather [hbm4b:s7+s3], $0x80, v3, vm0, $0xb8;
	[tilespmem:$0x18200] =	vst v63  }
0x2eb: {  	v3 =	vld [tilespmem:$0x1D0];
	_ =	sdelay $0x4  }
0x2ec: {  	v61 =	vshll.u32 v3, $0x3  }
0x2ed: {  	v3 =	vand.u32 $0x7, v3;
	v4 =	vand.u32 $0xFFFFFFC0, v61  }
0x2ee: {  	v3 =	vor.u32 v3, v4  }
0x2ef: {  	v4 =	vperm.xlane v3, v0;
	_ =	sdelay $0x1  }
0x2f0: {  	v4 =	vadd.s32 v1, v4;
	_ =	sdelay $0x3  }
0x2f1: {  	s18 =	simm.s32 $0x14200  }
0x2f2: {  	[tilespmem:s18], [sflag:$0x3] =	stream.indirect_vreg.gather [hbm4b:s1+s3], $0x80, v4, vm0, $0xb8;
	[tilespmem:$0x18200] =	vst v63  }
0x2f3: {  	s22 =	simm.s32 $0x14A00;
	v3 =	vperm.xlane v3, v2  }
0x2f4: {  	[tilespmem:s22], [sflag:$0x3] =	stream.indirect_vreg.gather [hbm4b:s5+s3], $0x80, v4, vm0, $0xb8;
	[tilespmem:$0x18200] =	vst v63  }
0x2f5: {  	s24 =	simm.s32 $0x15200;
	v3 =	vadd.s32 v1, v3  }
0x2f6: {  	[tilespmem:s24], [sflag:$0x3] =	stream.indirect_vreg.gather [hbm4b:s6+s3], $0x80, v4, vm0, $0xb8;
	[tilespmem:$0x18200] =	vst v63  }
0x2f7: {  	s25 =	simm.s32 $0x15A00  }
0x2f8: {  	[tilespmem:s25], [sflag:$0x3] =	stream.indirect_vreg.gather [hbm4b:s7+s3], $0x80, v4, vm0, $0xb8;
	[tilespmem:$0x18200] =	vst v63  }
0x2f9: {  	s23 =	simm.s32 $0x16200  }
0x2fa: {  	[tilespmem:s23], [sflag:$0x3] =	stream.indirect_vreg.gather [hbm4b:s1+s3], $0x80, v3, vm0, $0xb8;
	[tilespmem:$0x18200] =	vst v63  }
0x2fb: {  	s24 =	simm.s32 $0x16A00  }
0x2fc: {  	[tilespmem:s24], [sflag:$0x3] =	stream.indirect_vreg.gather [hbm4b:s5+s3], $0x80, v3, vm0, $0xb8;
	[tilespmem:$0x18200] =	vst v63  }
0x2fd: {  	s26 =	simm.s32 $0x17200  }
0x2fe: {  	[tilespmem:s26], [sflag:$0x3] =	stream.indirect_vreg.gather [hbm4b:s6+s3], $0x80, v3, vm0, $0xb8;
	[tilespmem:$0x18200] =	vst v63  }
0x2ff: {  	s25 =	simm.s32 $0x17A00  }
0x300: {  	[tilespmem:s25], [sflag:$0x3] =	stream.indirect_vreg.gather [hbm4b:s7+s3], $0x80, v3, vm0, $0xb8;
	[tilespmem:$0x18200] =	vst v63  }
0x301: {  	_ =	swait.ge [sflag:s17], $0x8000  }
0x302: {  	[sflag:s17] =	ssyncset.done $0x0  }
0x303: {  	s2 =	simm.s32 $0x8200;
	s26 =	rddreg [dreg:$0x11];
	[sflag:s17] =	ssyncadd.s32 $0xFFFF8000  }
0x304: {  	[hbm4b:s26+s3] =	stream.linear.scatter [tilespmem:s2], [sflag:$0x5], $0x8000, $0x38;
	[tilespmem:$0x18200] =	vst v63  }
0x305: {  	_ =	swait.ge [sflag:s0], $0x8000  }
0x306: {  	[sflag:s0] =	ssyncset.done $0x0  }
0x307: {  	[sflag:s0] =	ssyncadd.s32 $0xFFFF8000  }
0x308: {  	v3 =	vld [tilespmem:$0x1E0];
	_ =	sdelay $0x4  }
0x309: {  	v62 =	vshll.u32 v3, $0x3  }
0x30a: {  	v3 =	vand.u32 $0x7, v3;
	v4 =	vand.u32 $0xFFFFFFC0, v62  }
0x30b: {  	v3 =	vor.u32 v3, v4  }
0x30c: {  	v4 =	vperm.xlane v3, v0;
	_ =	sdelay $0x1  }
0x30d: {  	v4 =	vadd.s32 v1, v4;
	_ =	sdelay $0x4  }
0x30e: {  	[tilespmem:s19], [sflag:$0x1] =	stream.indirect_vreg.gather [hbm4b:s1+s3], $0x80, v4, vm0, $0xb8;
	[tilespmem:$0x18200] =	vst v63  }
0x30f: {  	s15 =	simm.s32 $0xA00;
	v3 =	vperm.xlane v3, v2  }
0x310: {  	[tilespmem:s15], [sflag:$0x1] =	stream.indirect_vreg.gather [hbm4b:s5+s3], $0x80, v4, vm0, $0xb8;
	[tilespmem:$0x18200] =	vst v63  }
0x311: {  	s18 =	simm.s32 $0x1200;
	v3 =	vadd.s32 v1, v3  }
0x312: {  	[tilespmem:s18], [sflag:$0x1] =	stream.indirect_vreg.gather [hbm4b:s6+s3], $0x80, v4, vm0, $0xb8;
	[tilespmem:$0x18200] =	vst v63  }
0x313: {  	s22 =	simm.s32 $0x1A00  }
0x314: {  	[tilespmem:s22], [sflag:$0x1] =	stream.indirect_vreg.gather [hbm4b:s7+s3], $0x80, v4, vm0, $0xb8;
	[tilespmem:$0x18200] =	vst v63  }
0x315: {  	s23 =	simm.s32 $0x2200  }
0x316: {  	[tilespmem:s23], [sflag:$0x1] =	stream.indirect_vreg.gather [hbm4b:s1+s3], $0x80, v3, vm0, $0xb8;
	[tilespmem:$0x18200] =	vst v63  }
0x317: {  	s24 =	simm.s32 $0x2A00  }
0x318: {  	[tilespmem:s24], [sflag:$0x1] =	stream.indirect_vreg.gather [hbm4b:s5+s3], $0x80, v3, vm0, $0xb8;
	[tilespmem:$0x18200] =	vst v63  }
0x319: {  	s25 =	simm.s32 $0x3200  }
0x31a: {  	[tilespmem:s25], [sflag:$0x1] =	stream.indirect_vreg.gather [hbm4b:s6+s3], $0x80, v3, vm0, $0xb8;
	[tilespmem:$0x18200] =	vst v63  }
0x31b: {  	s21 =	simm.s32 $0x3A00  }
0x31c: {  	[tilespmem:s21], [sflag:$0x1] =	stream.indirect_vreg.gather [hbm4b:s7+s3], $0x80, v3, vm0, $0xb8;
	[tilespmem:$0x18200] =	vst v63  }
0x31d: {  	v3 =	vld [tilespmem:$0x1F0];
	_ =	sdelay $0x4  }
0x31e: {  	v63 =	vshll.u32 v3, $0x3  }
0x31f: {  	v3 =	vand.u32 $0x7, v3;
	v4 =	vand.u32 $0xFFFFFFC0, v63  }
0x320: {  	v3 =	vor.u32 v3, v4  }
0x321: {  	v4 =	vperm.xlane v3, v0;
	_ =	sdelay $0x1  }
0x322: {  	v4 =	vadd.s32 v1, v4;
	_ =	sdelay $0x3  }
0x323: {  	s28 =	simm.s32 $0x4200  }
0x324: {  	[tilespmem:s28], [sflag:$0x1] =	stream.indirect_vreg.gather [hbm4b:s1+s3], $0x80, v4, vm0, $0xb8;
	[tilespmem:$0x18200] =	vst v63  }
0x325: {  	v3 =	vperm.xlane v3, v2  }
0x326: {  	[tilespmem:s16], [sflag:$0x1] =	stream.indirect_vreg.gather [hbm4b:s5+s3], $0x80, v4, vm0, $0xb8;
	[tilespmem:$0x18200] =	vst v63  }
0x327: {  	v3 =	vadd.s32 v1, v3  }
0x328: {  	[tilespmem:s10], [sflag:$0x1] =	stream.indirect_vreg.gather [hbm4b:s6+s3], $0x80, v4, vm0, $0xb8;
	[tilespmem:$0x18200] =	vst v63  }
0x329: {  	_ = 	snop  }
0x32a: {  	[tilespmem:s11], [sflag:$0x1] =	stream.indirect_vreg.gather [hbm4b:s7+s3], $0x80, v4, vm0, $0xb8;
	[tilespmem:$0x18200] =	vst v63  }
0x32b: {  	_ = 	snop  }
0x32c: {  	[tilespmem:s12], [sflag:$0x1] =	stream.indirect_vreg.gather [hbm4b:s1+s3], $0x80, v3, vm0, $0xb8;
	[tilespmem:$0x18200] =	vst v63  }
0x32d: {  	_ = 	snop  }
0x32e: {  	[tilespmem:s13], [sflag:$0x1] =	stream.indirect_vreg.gather [hbm4b:s5+s3], $0x80, v3, vm0, $0xb8;
	[tilespmem:$0x18200] =	vst v63  }
0x32f: {  	_ = 	snop  }
0x330: {  	[tilespmem:s14], [sflag:$0x1] =	stream.indirect_vreg.gather [hbm4b:s6+s3], $0x80, v3, vm0, $0xb8;
	[tilespmem:$0x18200] =	vst v63  }
0x331: {  	_ = 	snop  }
0x332: {  	[tilespmem:s8], [sflag:$0x1] =	stream.indirect_vreg.gather [hbm4b:s7+s3], $0x80, v3, vm0, $0xb8;
	[tilespmem:$0x18200] =	vst v63  }
0x333: {  	_ =	swait.ge [sflag:s4], $0x8000  }
0x334: {  	[sflag:s4] =	ssyncset.done $0x0  }
0x335: {  	s26 =	rddreg [dreg:$0x12];
	[sflag:s4] =	ssyncadd.s32 $0xFFFF8000  }
0x336: {  	[hbm4b:s26+s3] =	stream.linear.scatter [tilespmem:s20], [sflag:$0x6], $0x8000, $0x38;
	[tilespmem:$0x18200] =	vst v63  }
0x337: {  	_ =	swait.ge [sflag:s9], $0x8000  }
0x338: {  	[sflag:s9] =	ssyncset.done $0x0  }
0x339: {  	s28 =	rddreg [dreg:$0x13];
	[sflag:s9] =	ssyncadd.s32 $0xFFFF8000  }
0x33a: {  	[hbm4b:s28+s3] =	stream.linear.scatter [tilespmem:s19], [sflag:$0x4], $0x8000, $0x38;
	[tilespmem:$0x18200] =	vst v63  }
0x33b: {  	s31 =	rddreg [dreg:$0x15];
	_ =	swait.ge [sflag:s29], $0x8000  }
0x33c: {  	[sflag:s29] =	ssyncset.done $0x0  }
0x33d: {  	[sflag:s29] =	ssyncadd.s32 $0xFFFF8000  }
0x33e: {  	p0 =	sne.s32 s31, $0x1;
	_ =	swait.ge [sflag:s30], $0x8000  }
.Ltmp0:
0x33f: {  	[sflag:s30] =	ssyncset.done $0x0;
	(pc) =	sbr.rel @p0 .LBB2_1-.Ltmp0, $4  }
0x340: {  	[sflag:s30] =	ssyncadd.s32 $0xFFFF8000  }
0x341: {  	_ =	swait.ge [sflag:s0], $0x8000  }
0x342: {  	[sflag:s0] =	ssyncset.done $0x0  }
0x343: {  	s8 =	sadd.s32 $0xFFFFFFFF, s31;
	[sflag:s0] =	ssyncadd.s32 $0xFFFF8000  }
0x344: {  	_ =	sfence.sel $0x180000  }
0x345: {  	[bflag:$0x0] =	sbarrier.arrive $0xFFFF  }
0x346: {  	_ =	strace $0x90000047  }
0x347: {  	s0 =	stileid.u32;
	[bflag:$0x2] =	sbarrier.arrive $0xFFFF  }
0x348: {  	p0 =	sne.s32 s0, $0x0;
	s0 =	rddreg [dreg:$0x3]  }
0x349: {  	s0 =	sadd.s32 @!p0 $0x100000, s0  }
0x34a: {  	[sflag:s0] =	ssyncadd.tile.s32 @!p0 $0x1;
	_ =	shalt  }
.Lfunc_end2:
_tile_overlayer_lowered:
.L_overlay_start_2:
0x34b: {  	(tag) =	ssettag $0x2  }
0x34c: {  	s0 =	rddreg [dreg:$0x0];
	s2 =	stileid.u32  }
0x34d: {  	s1 =	rddreg [dreg:$0x1];
	p0 =	sne.s32 s2, $0x0  }
0x34e: {  	s3 =	rddreg [dreg:$0x2];
	[bflag:$0x3] =	sbarrier.arrive $0xFFFF;
	s2 =	simm.s32 @!p0 $0x1C07  }
0x34f: {  	[timem:s3], [sflag:s2] =	dma.local @!p0 [hbm:s0], s1  }
0x350: {  	s0 =	simm.s32 @!p0 $0x7  }
0x351: {  	_ =	swait.ge @!p0 [sflag:s0], s1  }
0x352: {  	s1 =	ssub.s32 @!p0 $0x0, s1;
	[sflag:s0] =	ssyncset.done @!p0 $0x0  }
0x353: {  	[sflag:s0] =	ssyncadd.s32 @!p0 s1  }
0x354: {  	[bflag:$0x3] =	sbarrier.arrive $0xFFFF  }
0x355: {  	_ =	shalt  }

</sc_bundles>
